<compile_context>
chip_gen: v7x
topology: tpu7x:2x2x1
jax: 0.10.2.dev20260603
libtpu: 0.0.44.dev20260713+nightly
codegen_flags: <defaults>
</compile_context>

<pallas_src>
import functools

import jax
import jax.numpy as jnp
from jax import lax
from jax.experimental import pallas as pl
from jax.experimental.pallas import tpu as pltpu
import jax.experimental.pallas.tpu_sc as plsc

N = 10000
E = 320000
D = 128
R = 4
G = 64

NC = 2
NS = 16

EPT = E // NS
CH = 128
NCH = 160
EPAD = NCH * CH - EPT
RPT = 632

BN = 1000
PBN = 2000
NPB = N // PBN



def _transform_body(relu_in, x_ref, wr_ref, ws_ref, xt_ref, xs_ref):
    x = x_ref[0]
    if relu_in:
        x = jnp.maximum(x, 0.0)
    for r in range(R):
        xt_ref[0, r] = jnp.dot(x, wr_ref[r], preferred_element_type=jnp.float32)
    xs_ref[0] = jnp.dot(x, ws_ref[...], preferred_element_type=jnp.float32)


def _transform(x, w_rel, w_self, relu_in):
    return pl.pallas_call(
        functools.partial(_transform_body, relu_in),
        grid=(2, N // BN),
        in_specs=[
            pl.BlockSpec((1, BN, D), lambda g, b: (g, b, 0)),
            pl.BlockSpec((R, D, D), lambda g, b: (0, 0, 0)),
            pl.BlockSpec((D, D), lambda g, b: (0, 0)),
        ],
        out_specs=[
            pl.BlockSpec((1, R, BN, D), lambda g, b: (g, 0, b, 0)),
            pl.BlockSpec((1, BN, D), lambda g, b: (g, b, 0)),
        ],
        out_shape=[
            jax.ShapeDtypeStruct((2, R, N, D), jnp.float32),
            jax.ShapeDtypeStruct((2, N, D), jnp.float32),
        ],
    )(x, w_rel, w_self)



BLK = 16
NBLK = NCH // BLK


def _edge_agg_body(xt_hbm, gidx_hbm, dst_hbm, xself_hbm, out_hbm,
                   gblk, dblk, rb0, rb1, acc, gs0, gs1):
    c = lax.axis_index("c")
    s = lax.axis_index("s")
    wid = c * NS + s

    r0 = pl.multiple_of(jnp.minimum(s * RPT, N - RPT), 8)
    pltpu.sync_copy(xself_hbm.at[c, pl.ds(r0, RPT)], acc.at[pl.ds(r0, RPT)])
    plsc.subcore_barrier()

    def block(b, carry):
        boff = pl.multiple_of(b * BLK, 8)
        pltpu.sync_copy(gidx_hbm.at[wid, pl.ds(boff, BLK)], gblk)
        pltpu.sync_copy(dst_hbm.at[wid, pl.ds(boff, BLK)], dblk)

        def pair(i, carry2):
            j0 = 2 * i
            j1 = 2 * i + 1
            c0 = pltpu.async_copy(xt_hbm.at[gblk.at[j0]], rb0, gs0)
            c1 = pltpu.async_copy(xt_hbm.at[gblk.at[j1]], rb1, gs1)
            c0.wait()
            pltpu.sync_copy(rb0, acc.at[dblk.at[j0]], add=True)
            c1.wait()
            pltpu.sync_copy(rb1, acc.at[dblk.at[j1]], add=True)
            return carry2

        lax.fori_loop(0, BLK // 2, pair, 0)
        return carry

    lax.fori_loop(0, NBLK, block, 0)

    plsc.subcore_barrier()
    pltpu.sync_copy(acc.at[pl.ds(r0, RPT)], out_hbm.at[c, pl.ds(r0, RPT)])


_edge_agg = pl.kernel(
    _edge_agg_body,
    out_type=jax.ShapeDtypeStruct((2, N, D), jnp.float32),
    mesh=plsc.VectorSubcoreMesh(core_axis_name="c", subcore_axis_name="s",
                                num_cores=NC, num_subcores=NS),
    scratch_types=[
        pltpu.VMEM((BLK, CH), jnp.int32),
        pltpu.VMEM((BLK, CH), jnp.int32),
        pltpu.VMEM((CH, D), jnp.float32),
        pltpu.VMEM((CH, D), jnp.float32),
        pltpu.VMEM_SHARED((N + 8, D), jnp.float32),
        pltpu.SemaphoreType.DMA,
        pltpu.SemaphoreType.DMA,
    ],
)



def _pool_body(agg_ref, bidx_ref, out_ref, sums_ref, cnts_ref):
    b = pl.program_id(0)

    @pl.when(b == 0)
    def _():
        sums_ref[...] = jnp.zeros_like(sums_ref)
        cnts_ref[...] = jnp.zeros_like(cnts_ref)

    for g in range(2):
        x = jnp.maximum(agg_ref[g], 0.0)
        bi = bidx_ref[g, 0, 0]
        onehot = (bi[None, :] == lax.broadcasted_iota(jnp.int32, (G, PBN), 0))
        onehot = onehot.astype(jnp.float32)
        sums_ref[g] += jnp.dot(onehot, x, preferred_element_type=jnp.float32)
        cnts_ref[g] += jnp.sum(onehot, axis=1, keepdims=True)

    @pl.when(b == NPB - 1)
    def _():
        v1 = sums_ref[0] / jnp.maximum(cnts_ref[0], 1.0)
        v2 = sums_ref[1] / jnp.maximum(cnts_ref[1], 1.0)
        out_ref[:, 0 * D:1 * D] = v1
        out_ref[:, 1 * D:2 * D] = v2
        out_ref[:, 2 * D:3 * D] = v1 - v2
        out_ref[:, 3 * D:4 * D] = v1 * v2


def _pool_concat(agg, bidx):
    return pl.pallas_call(
        _pool_body,
        grid=(NPB,),
        in_specs=[
            pl.BlockSpec((2, PBN, D), lambda b: (0, b, 0)),
            pl.BlockSpec((2, 1, 1, PBN), lambda b: (0, b, 0, 0)),
        ],
        out_specs=pl.BlockSpec((G, 4 * D), lambda b: (0, 0)),
        out_shape=jax.ShapeDtypeStruct((G, 4 * D), jnp.float32),
        scratch_shapes=[
            pltpu.VMEM((2, G, D), jnp.float32),
            pltpu.VMEM((2, G, 1), jnp.float32),
        ],
    )(agg, bidx)



def kernel(x1_data, x1_batch_indices, x2_data, x2_batch_indices,
           g1_edge_index, g1_edge_attr, g1_batch_id,
           g2_edge_index, g2_edge_attr, g2_batch_id,
           W_rel, W_self):
    x = jnp.stack([x1_data, x2_data])

    gidx = jnp.concatenate([
        g1_edge_attr.astype(jnp.int32) * N + g1_edge_index[0].astype(jnp.int32),
        R * N + g2_edge_attr.astype(jnp.int32) * N + g2_edge_index[0].astype(jnp.int32),
    ])
    dst = jnp.concatenate([g1_edge_index[1].astype(jnp.int32),
                           g2_edge_index[1].astype(jnp.int32)])
    gidx = jnp.pad(gidx.reshape(2 * NS, EPT), ((0, 0), (0, EPAD)),
                   constant_values=0).reshape(2 * NS, NCH, CH)
    dst = jnp.pad(dst.reshape(2 * NS, EPT), ((0, 0), (0, EPAD)),
                  constant_values=N).reshape(2 * NS, NCH, CH)

    for layer in range(2):
        xt, xself = _transform(x, W_rel, W_self, relu_in=(layer > 0))
        x = _edge_agg(xt.reshape(2 * R * N, D), gidx, dst, xself)

    bidx = jnp.stack([x1_batch_indices.astype(jnp.int32),
                      x2_batch_indices.astype(jnp.int32)]).reshape(2, NPB, 1, PBN)
    return _pool_concat(x, bidx)

# --- scband reference (transcript-rebuilt; emitter-appended) ---
"""Pipeline reference for scband-graph-embedding-net-39187281608960 (READ-ONLY COPY).

The authoritative reference and input builder live on the scoring server;
editing this copy changes nothing except your own understanding.
"""

import jax, jax.numpy as jnp
import numpy as np

N = 10000
E = 320000
D = 128
R = 4
G = 64
NUM_LAYERS = 2


def setup_inputs(seed: int = 0) -> dict:
    key = jax.random.key(seed)
    ks = jax.random.split(key, 12)
    x1_data = jax.random.normal(ks[0], (N, D), dtype=jnp.float32)
    x2_data = jax.random.normal(ks[1], (N, D), dtype=jnp.float32)
    x1_batch_indices = jnp.sort(jax.random.randint(ks[2], (N,), 0, G))
    x2_batch_indices = jnp.sort(jax.random.randint(ks[3], (N,), 0, G))
    g1_edge_index = jax.random.randint(ks[4], (2, E), 0, N)
    g1_edge_attr = jax.random.randint(ks[5], (E,), 0, R)
    g1_batch_id = jnp.sort(jax.random.randint(ks[6], (E,), 0, G))
    g2_edge_index = jax.random.randint(ks[7], (2, E), 0, N)
    g2_edge_attr = jax.random.randint(ks[8], (E,), 0, R)
    g2_batch_id = jnp.sort(jax.random.randint(ks[9], (E,), 0, G))
    W_rel = jax.random.normal(ks[10], (R, D, D), dtype=jnp.float32) * 0.05
    W_self = jax.random.normal(ks[11], (D, D), dtype=jnp.float32) * 0.05
    return {
        'x1_data': x1_data,
        'x1_batch_indices': x1_batch_indices,
        'x2_data': x2_data,
        'x2_batch_indices': x2_batch_indices,
        'g1_edge_index': g1_edge_index,
        'g1_edge_attr': g1_edge_attr,
        'g1_batch_id': g1_batch_id,
        'g2_edge_index': g2_edge_index,
        'g2_edge_attr': g2_edge_attr,
        'g2_batch_id': g2_batch_id,
        'W_rel': W_rel,
        'W_self': W_self,
    }


def _rgcn_conv(x, edge_index, edge_type, W_rel, W_self):
    # relation-specific transform of all nodes: [R, N, D]
    x_trans = jnp.einsum('nd,rdf->rnf', x, W_rel)
    src = edge_index[0]
    dst = edge_index[1]
    # per-edge message gathered by (relation, src)
    msg = x_trans[edge_type, src]
    agg = jax.ops.segment_sum(msg, dst, num_segments=x.shape[0])
    return jax.nn.relu(agg + x @ W_self)


def _mean_pool(x, batch, num_graphs):
    sums = jax.ops.segment_sum(x, batch, num_segments=num_graphs)
    counts = jax.ops.segment_sum(jnp.ones((x.shape[0],), dtype=x.dtype), batch, num_segments=num_graphs)
    return sums / jnp.maximum(counts, 1.0)[:, None]


def reference(x1_data, x1_batch_indices, x2_data, x2_batch_indices,
              g1_edge_index, g1_edge_attr, g1_batch_id,
              g2_edge_index, g2_edge_attr, g2_batch_id,
              W_rel, W_self):
    x1 = x1_data
    x2 = x2_data
    # convs constructed via [conv] * num_layers -> shared weights across layers
    for _ in range(NUM_LAYERS):
        x1 = _rgcn_conv(x1, g1_edge_index, g1_edge_attr, W_rel, W_self)
        x2 = _rgcn_conv(x2, g2_edge_index, g2_edge_attr, W_rel, W_self)
    v1 = _mean_pool(x1, x1_batch_indices, G)
    v2 = _mean_pool(x2, x2_batch_indices, G)
    out = jnp.concatenate([v1, v2, v1 - v2, v1 * v2], axis=1)
    return out

if __name__ == "__main__":
    import jax
    _d = setup_inputs()
    print(jax.jit(kernel)(*tuple(_d.values())))

</pallas_src>

<mosaic_0001>
#map = affine_map<(d0, d1) -> (0, 0)>
#map1 = affine_map<(d0, d1) -> (0, 0, 0)>
module attributes {stable_mosaic.version = 14 : i64} {
  func.func @_edge_agg_body(%arg0: i32, %arg1: i32, %arg2: memref<80000x128xf32, #tpu.memory_space<hbm>>, %arg3: memref<32x160x128xi32, #tpu.memory_space<hbm>>, %arg4: memref<32x160x128xi32, #tpu.memory_space<hbm>>, %arg5: memref<2x10000x128xf32, #tpu.memory_space<hbm>>, %arg6: memref<2x10000x128xf32, #tpu.memory_space<hbm>>, %arg7: memref<16x128xi32, #tpu.memory_space<vmem>>, %arg8: memref<16x128xi32, #tpu.memory_space<vmem>>, %arg9: memref<128x128xf32, #tpu.memory_space<vmem>>, %arg10: memref<128x128xf32, #tpu.memory_space<vmem>>, %arg11: memref<10008x128xf32, #tpu.memory_space<vmem_shared>>, %arg12: memref<!tpu.dma_semaphore, #tpu.memory_space<semaphore_mem>>, %arg13: memref<!tpu.dma_semaphore, #tpu.memory_space<semaphore_mem>>) attributes {dimension_semantics = [#tpu.dimension_semantics<core_parallel>, #tpu.dimension_semantics<subcore_parallel>], iteration_bounds = array<i64: 2, 16>, scalar_prefetch = 0 : i64, scratch_operands = 7 : i64, tpu.core_type = #tpu.core_type<sc_vector_subcore>, window_params = [{transform_indices = #map}, {transform_indices = #map1}, {transform_indices = #map1}, {transform_indices = #map1}, {transform_indices = #map1}]} {
    %mul3A = arith.constant 16 : i32
    %mul3A_0 = arith.muli %arg0, %mul3A : i32
    %add3A = arith.addi %mul3A_0, %arg1 : i32
    %mul3A_1 = arith.constant 632 : i32
    %mul3A_2 = arith.muli %arg1, %mul3A_1 : i32
    %min3A = arith.constant 9368 : i32
    %min3A_3 = arith.minsi %mul3A_2, %min3A : i32
    %multiple_of3A = tpu.assume_multiple %min3A_3, 8 : i32
    "tpu.region"() ({
      %run_scoped3A = tpu.sem_alloc : memref<!tpu.dma_semaphore, #tpu.memory_space<semaphore_mem>>
      %dma_start3A = arith.constant 0 : i32
      %dma_start3A_10 = tpu.memref_slice %arg11[%multiple_of3A, %dma_start3A] : memref<10008x128xf32, #tpu.memory_space<vmem_shared>> -> memref<632x128xf32, #tpu.memory_space<vmem_shared>>
      %dma_start3A_11 = arith.constant 0 : i32
      %dma_start3A_12 = tpu.memref_slice %arg5[%arg0, %multiple_of3A, %dma_start3A_11] : memref<2x10000x128xf32, #tpu.memory_space<hbm>> -> memref<1x632x128xf32, #tpu.memory_space<hbm>>
      %dma_start3A_13 = tpu.memref_squeeze %dma_start3A_12 : memref<1x632x128xf32, #tpu.memory_space<hbm>> -> memref<632x128xf32, #tpu.memory_space<hbm>>
      tpu.enqueue_dma source(%dma_start3A_13 : memref<632x128xf32, #tpu.memory_space<hbm>>) target(%dma_start3A_10 : memref<632x128xf32, #tpu.memory_space<vmem_shared>>) target_semaphore(%run_scoped3A : memref<!tpu.dma_semaphore, #tpu.memory_space<semaphore_mem>>)
      %dma_wait3A = arith.constant 0 : i32
      %dma_wait3A_14 = tpu.memref_slice %arg11[%multiple_of3A, %dma_wait3A] : memref<10008x128xf32, #tpu.memory_space<vmem_shared>> -> memref<632x128xf32, #tpu.memory_space<vmem_shared>>
      %dma_wait3A_15 = arith.constant 0 : i32
      %dma_wait3A_16 = tpu.memref_slice %arg5[%arg0, %multiple_of3A, %dma_wait3A_15] : memref<2x10000x128xf32, #tpu.memory_space<hbm>> -> memref<1x632x128xf32, #tpu.memory_space<hbm>>
      %dma_wait3A_17 = tpu.memref_squeeze %dma_wait3A_16 : memref<1x632x128xf32, #tpu.memory_space<hbm>> -> memref<632x128xf32, #tpu.memory_space<hbm>>
      tpu.wait_dma2 semaphore(%run_scoped3A : memref<!tpu.dma_semaphore, #tpu.memory_space<semaphore_mem>>) src(%dma_wait3A_17 : memref<632x128xf32, #tpu.memory_space<hbm>>) dst(%dma_wait3A_14 : memref<632x128xf32, #tpu.memory_space<vmem_shared>>)
      tpu.yield
    }) : () -> ()
    %barrier3A = arith.constant 0 : index
    tpu.barrier barrier_id(%barrier3A)
    %scan3A = arith.constant 0 : i32
    %scan3A_4 = arith.constant 0 : i32
    %scan3A_5 = arith.constant 10 : i32
    %scan3A_6 = arith.addi %scan3A_4, %scan3A_5 : i32
    %scan3A_7 = arith.constant 1 : i32
    scf.for %scan3A_10 = %scan3A_4 to %scan3A_6 step %scan3A_7  : i32 {
      %mul3A_11 = arith.constant 16 : i32
      %mul3A_12 = arith.muli %scan3A_10, %mul3A_11 : i32
      %multiple_of3A_13 = tpu.assume_multiple %mul3A_12, 8 : i32
      "tpu.region"() ({
        %run_scoped3A = tpu.sem_alloc : memref<!tpu.dma_semaphore, #tpu.memory_space<semaphore_mem>>
        %dma_start3A = arith.constant 0 : i32
        %dma_start3A_20 = tpu.memref_slice %arg3[%add3A, %multiple_of3A_13, %dma_start3A] : memref<32x160x128xi32, #tpu.memory_space<hbm>> -> memref<1x16x128xi32, #tpu.memory_space<hbm>>
        %dma_start3A_21 = tpu.memref_squeeze %dma_start3A_20 : memref<1x16x128xi32, #tpu.memory_space<hbm>> -> memref<16x128xi32, #tpu.memory_space<hbm>>
        %dma_start3A_22 = arith.constant 0 : i32
        %dma_start3A_23 = tpu.memref_slice %arg3[%add3A, %multiple_of3A_13, %dma_start3A_22] : memref<32x160x128xi32, #tpu.memory_space<hbm>> -> memref<1x16x128xi32, #tpu.memory_space<hbm>>
        %dma_start3A_24 = tpu.memref_squeeze %dma_start3A_23 : memref<1x16x128xi32, #tpu.memory_space<hbm>> -> memref<16x128xi32, #tpu.memory_space<hbm>>
        tpu.enqueue_dma source(%dma_start3A_24 : memref<16x128xi32, #tpu.memory_space<hbm>>) target(%arg7 : memref<16x128xi32, #tpu.memory_space<vmem>>) target_semaphore(%run_scoped3A : memref<!tpu.dma_semaphore, #tpu.memory_space<semaphore_mem>>)
        %dma_wait3A = arith.constant 0 : i32
        %dma_wait3A_25 = tpu.memref_slice %arg3[%add3A, %multiple_of3A_13, %dma_wait3A] : memref<32x160x128xi32, #tpu.memory_space<hbm>> -> memref<1x16x128xi32, #tpu.memory_space<hbm>>
        %dma_wait3A_26 = tpu.memref_squeeze %dma_wait3A_25 : memref<1x16x128xi32, #tpu.memory_space<hbm>> -> memref<16x128xi32, #tpu.memory_space<hbm>>
        %dma_wait3A_27 = arith.constant 0 : i32
        %dma_wait3A_28 = tpu.memref_slice %arg3[%add3A, %multiple_of3A_13, %dma_wait3A_27] : memref<32x160x128xi32, #tpu.memory_space<hbm>> -> memref<1x16x128xi32, #tpu.memory_space<hbm>>
        %dma_wait3A_29 = tpu.memref_squeeze %dma_wait3A_28 : memref<1x16x128xi32, #tpu.memory_space<hbm>> -> memref<16x128xi32, #tpu.memory_space<hbm>>
        tpu.wait_dma2 semaphore(%run_scoped3A : memref<!tpu.dma_semaphore, #tpu.memory_space<semaphore_mem>>) src(%dma_wait3A_29 : memref<16x128xi32, #tpu.memory_space<hbm>>) dst(%arg7 : memref<16x128xi32, #tpu.memory_space<vmem>>)
        tpu.yield
      }) : () -> ()
      "tpu.region"() ({
        %run_scoped3A = tpu.sem_alloc : memref<!tpu.dma_semaphore, #tpu.memory_space<semaphore_mem>>
        %dma_start3A = arith.constant 0 : i32
        %dma_start3A_20 = tpu.memref_slice %arg4[%add3A, %multiple_of3A_13, %dma_start3A] : memref<32x160x128xi32, #tpu.memory_space<hbm>> -> memref<1x16x128xi32, #tpu.memory_space<hbm>>
        %dma_start3A_21 = tpu.memref_squeeze %dma_start3A_20 : memref<1x16x128xi32, #tpu.memory_space<hbm>> -> memref<16x128xi32, #tpu.memory_space<hbm>>
        %dma_start3A_22 = arith.constant 0 : i32
        %dma_start3A_23 = tpu.memref_slice %arg4[%add3A, %multiple_of3A_13, %dma_start3A_22] : memref<32x160x128xi32, #tpu.memory_space<hbm>> -> memref<1x16x128xi32, #tpu.memory_space<hbm>>
        %dma_start3A_24 = tpu.memref_squeeze %dma_start3A_23 : memref<1x16x128xi32, #tpu.memory_space<hbm>> -> memref<16x128xi32, #tpu.memory_space<hbm>>
        tpu.enqueue_dma source(%dma_start3A_24 : memref<16x128xi32, #tpu.memory_space<hbm>>) target(%arg8 : memref<16x128xi32, #tpu.memory_space<vmem>>) target_semaphore(%run_scoped3A : memref<!tpu.dma_semaphore, #tpu.memory_space<semaphore_mem>>)
        %dma_wait3A = arith.constant 0 : i32
        %dma_wait3A_25 = tpu.memref_slice %arg4[%add3A, %multiple_of3A_13, %dma_wait3A] : memref<32x160x128xi32, #tpu.memory_space<hbm>> -> memref<1x16x128xi32, #tpu.memory_space<hbm>>
        %dma_wait3A_26 = tpu.memref_squeeze %dma_wait3A_25 : memref<1x16x128xi32, #tpu.memory_space<hbm>> -> memref<16x128xi32, #tpu.memory_space<hbm>>
        %dma_wait3A_27 = arith.constant 0 : i32
        %dma_wait3A_28 = tpu.memref_slice %arg4[%add3A, %multiple_of3A_13, %dma_wait3A_27] : memref<32x160x128xi32, #tpu.memory_space<hbm>> -> memref<1x16x128xi32, #tpu.memory_space<hbm>>
        %dma_wait3A_29 = tpu.memref_squeeze %dma_wait3A_28 : memref<1x16x128xi32, #tpu.memory_space<hbm>> -> memref<16x128xi32, #tpu.memory_space<hbm>>
        tpu.wait_dma2 semaphore(%run_scoped3A : memref<!tpu.dma_semaphore, #tpu.memory_space<semaphore_mem>>) src(%dma_wait3A_29 : memref<16x128xi32, #tpu.memory_space<hbm>>) dst(%arg8 : memref<16x128xi32, #tpu.memory_space<vmem>>)
        tpu.yield
      }) : () -> ()
      %scan3A_14 = arith.constant 0 : i32
      %scan3A_15 = arith.constant 0 : i32
      %scan3A_16 = arith.constant 8 : i32
      %scan3A_17 = arith.addi %scan3A_15, %scan3A_16 : i32
      %scan3A_18 = arith.constant 1 : i32
      scf.for %scan3A_20 = %scan3A_15 to %scan3A_17 step %scan3A_18  : i32 {
        %mul3A_21 = arith.constant 2 : i32
        %mul3A_22 = arith.muli %mul3A_21, %scan3A_20 : i32
        %mul3A_23 = arith.constant 2 : i32
        %mul3A_24 = arith.muli %mul3A_23, %scan3A_20 : i32
        %add3A_25 = arith.constant 1 : i32
        %add3A_26 = arith.addi %mul3A_24, %add3A_25 : i32
        %dma_start3A = arith.constant 0 : i32
        %dma_start3A_27 = tpu.memref_slice %arg7[%mul3A_22, %dma_start3A] : memref<16x128xi32, #tpu.memory_space<vmem>> -> memref<1x128xi32, #tpu.memory_space<vmem>>
        %dma_start3A_28 = tpu.memref_squeeze %dma_start3A_27 : memref<1x128xi32, #tpu.memory_space<vmem>> -> memref<128xi32, #tpu.memory_space<vmem>>
        %dma_start3A_29 = arith.constant 0 : i32
        %dma_start3A_30 = arith.constant 0 : i32
        %dma_start3A_31 = tpu.memref_slice %arg2[%dma_start3A_29, %dma_start3A_30] : memref<80000x128xf32, #tpu.memory_space<hbm>> -> memref<80000x128xf32, #tpu.memory_space<hbm>>
        tpu.enqueue_indirect_dma source(%dma_start3A_31 : memref<80000x128xf32, #tpu.memory_space<hbm>>) target(%arg9 : memref<128x128xf32, #tpu.memory_space<vmem>>) offsets(%dma_start3A_28 : memref<128xi32, #tpu.memory_space<vmem>>) semaphore(%arg12 : memref<!tpu.dma_semaphore, #tpu.memory_space<semaphore_mem>>)
        %dma_start3A_32 = arith.constant 0 : i32
        %dma_start3A_33 = tpu.memref_slice %arg7[%add3A_26, %dma_start3A_32] : memref<16x128xi32, #tpu.memory_space<vmem>> -> memref<1x128xi32, #tpu.memory_space<vmem>>
        %dma_start3A_34 = tpu.memref_squeeze %dma_start3A_33 : memref<1x128xi32, #tpu.memory_space<vmem>> -> memref<128xi32, #tpu.memory_space<vmem>>
        %dma_start3A_35 = arith.constant 0 : i32
        %dma_start3A_36 = arith.constant 0 : i32
        %dma_start3A_37 = tpu.memref_slice %arg2[%dma_start3A_35, %dma_start3A_36] : memref<80000x128xf32, #tpu.memory_space<hbm>> -> memref<80000x128xf32, #tpu.memory_space<hbm>>
        tpu.enqueue_indirect_dma source(%dma_start3A_37 : memref<80000x128xf32, #tpu.memory_space<hbm>>) target(%arg10 : memref<128x128xf32, #tpu.memory_space<vmem>>) offsets(%dma_start3A_34 : memref<128xi32, #tpu.memory_space<vmem>>) semaphore(%arg13 : memref<!tpu.dma_semaphore, #tpu.memory_space<semaphore_mem>>)
        %dma_wait3A = arith.constant 0 : i32
        %dma_wait3A_38 = tpu.memref_slice %arg7[%mul3A_22, %dma_wait3A] : memref<16x128xi32, #tpu.memory_space<vmem>> -> memref<1x128xi32, #tpu.memory_space<vmem>>
        %dma_wait3A_39 = tpu.memref_squeeze %dma_wait3A_38 : memref<1x128xi32, #tpu.memory_space<vmem>> -> memref<128xi32, #tpu.memory_space<vmem>>
        %dma_wait3A_40 = arith.constant 0 : i32
        %dma_wait3A_41 = arith.constant 0 : i32
        %dma_wait3A_42 = tpu.memref_slice %arg2[%dma_wait3A_40, %dma_wait3A_41] : memref<80000x128xf32, #tpu.memory_space<hbm>> -> memref<80000x128xf32, #tpu.memory_space<hbm>>
        tpu.wait_indirect_dma semaphore(%arg12 : memref<!tpu.dma_semaphore, #tpu.memory_space<semaphore_mem>>) src(%dma_wait3A_42 : memref<80000x128xf32, #tpu.memory_space<hbm>>) dst(%arg9 : memref<128x128xf32, #tpu.memory_space<vmem>>)
        "tpu.region"() ({
          %run_scoped3A = tpu.sem_alloc : memref<!tpu.dma_semaphore, #tpu.memory_space<semaphore_mem>>
          %dma_start3A_49 = arith.constant 0 : i32
          %dma_start3A_50 = tpu.memref_slice %arg8[%mul3A_22, %dma_start3A_49] : memref<16x128xi32, #tpu.memory_space<vmem>> -> memref<1x128xi32, #tpu.memory_space<vmem>>
          %dma_start3A_51 = tpu.memref_squeeze %dma_start3A_50 : memref<1x128xi32, #tpu.memory_space<vmem>> -> memref<128xi32, #tpu.memory_space<vmem>>
          %dma_start3A_52 = arith.constant 0 : i32
          %dma_start3A_53 = arith.constant 0 : i32
          %dma_start3A_54 = tpu.memref_slice %arg11[%dma_start3A_52, %dma_start3A_53] : memref<10008x128xf32, #tpu.memory_space<vmem_shared>> -> memref<10008x128xf32, #tpu.memory_space<vmem_shared>>
          tpu.enqueue_indirect_dma source(%arg9 : memref<128x128xf32, #tpu.memory_space<vmem>>) target(%dma_start3A_54 : memref<10008x128xf32, #tpu.memory_space<vmem_shared>>) offsets(%dma_start3A_51 : memref<128xi32, #tpu.memory_space<vmem>>) semaphore(%run_scoped3A : memref<!tpu.dma_semaphore, #tpu.memory_space<semaphore_mem>>) {add = true}
          %dma_wait3A_55 = arith.constant 0 : i32
          %dma_wait3A_56 = tpu.memref_slice %arg8[%mul3A_22, %dma_wait3A_55] : memref<16x128xi32, #tpu.memory_space<vmem>> -> memref<1x128xi32, #tpu.memory_space<vmem>>
          %dma_wait3A_57 = tpu.memref_squeeze %dma_wait3A_56 : memref<1x128xi32, #tpu.memory_space<vmem>> -> memref<128xi32, #tpu.memory_space<vmem>>
          %dma_wait3A_58 = arith.constant 0 : i32
          %dma_wait3A_59 = arith.constant 0 : i32
          %dma_wait3A_60 = tpu.memref_slice %arg11[%dma_wait3A_58, %dma_wait3A_59] : memref<10008x128xf32, #tpu.memory_space<vmem_shared>> -> memref<10008x128xf32, #tpu.memory_space<vmem_shared>>
          tpu.wait_indirect_dma semaphore(%run_scoped3A : memref<!tpu.dma_semaphore, #tpu.memory_space<semaphore_mem>>) src(%arg9 : memref<128x128xf32, #tpu.memory_space<vmem>>) dst(%dma_wait3A_60 : memref<10008x128xf32, #tpu.memory_space<vmem_shared>>)
          tpu.yield
        }) : () -> ()
        %dma_wait3A_43 = arith.constant 0 : i32
        %dma_wait3A_44 = tpu.memref_slice %arg7[%add3A_26, %dma_wait3A_43] : memref<16x128xi32, #tpu.memory_space<vmem>> -> memref<1x128xi32, #tpu.memory_space<vmem>>
        %dma_wait3A_45 = tpu.memref_squeeze %dma_wait3A_44 : memref<1x128xi32, #tpu.memory_space<vmem>> -> memref<128xi32, #tpu.memory_space<vmem>>
        %dma_wait3A_46 = arith.constant 0 : i32
        %dma_wait3A_47 = arith.constant 0 : i32
        %dma_wait3A_48 = tpu.memref_slice %arg2[%dma_wait3A_46, %dma_wait3A_47] : memref<80000x128xf32, #tpu.memory_space<hbm>> -> memref<80000x128xf32, #tpu.memory_space<hbm>>
        tpu.wait_indirect_dma semaphore(%arg13 : memref<!tpu.dma_semaphore, #tpu.memory_space<semaphore_mem>>) src(%dma_wait3A_48 : memref<80000x128xf32, #tpu.memory_space<hbm>>) dst(%arg10 : memref<128x128xf32, #tpu.memory_space<vmem>>)
        "tpu.region"() ({
          %run_scoped3A = tpu.sem_alloc : memref<!tpu.dma_semaphore, #tpu.memory_space<semaphore_mem>>
          %dma_start3A_49 = arith.constant 0 : i32
          %dma_start3A_50 = tpu.memref_slice %arg8[%add3A_26, %dma_start3A_49] : memref<16x128xi32, #tpu.memory_space<vmem>> -> memref<1x128xi32, #tpu.memory_space<vmem>>
          %dma_start3A_51 = tpu.memref_squeeze %dma_start3A_50 : memref<1x128xi32, #tpu.memory_space<vmem>> -> memref<128xi32, #tpu.memory_space<vmem>>
          %dma_start3A_52 = arith.constant 0 : i32
          %dma_start3A_53 = arith.constant 0 : i32
          %dma_start3A_54 = tpu.memref_slice %arg11[%dma_start3A_52, %dma_start3A_53] : memref<10008x128xf32, #tpu.memory_space<vmem_shared>> -> memref<10008x128xf32, #tpu.memory_space<vmem_shared>>
          tpu.enqueue_indirect_dma source(%arg10 : memref<128x128xf32, #tpu.memory_space<vmem>>) target(%dma_start3A_54 : memref<10008x128xf32, #tpu.memory_space<vmem_shared>>) offsets(%dma_start3A_51 : memref<128xi32, #tpu.memory_space<vmem>>) semaphore(%run_scoped3A : memref<!tpu.dma_semaphore, #tpu.memory_space<semaphore_mem>>) {add = true}
          %dma_wait3A_55 = arith.constant 0 : i32
          %dma_wait3A_56 = tpu.memref_slice %arg8[%add3A_26, %dma_wait3A_55] : memref<16x128xi32, #tpu.memory_space<vmem>> -> memref<1x128xi32, #tpu.memory_space<vmem>>
          %dma_wait3A_57 = tpu.memref_squeeze %dma_wait3A_56 : memref<1x128xi32, #tpu.memory_space<vmem>> -> memref<128xi32, #tpu.memory_space<vmem>>
          %dma_wait3A_58 = arith.constant 0 : i32
          %dma_wait3A_59 = arith.constant 0 : i32
          %dma_wait3A_60 = tpu.memref_slice %arg11[%dma_wait3A_58, %dma_wait3A_59] : memref<10008x128xf32, #tpu.memory_space<vmem_shared>> -> memref<10008x128xf32, #tpu.memory_space<vmem_shared>>
          tpu.wait_indirect_dma semaphore(%run_scoped3A : memref<!tpu.dma_semaphore, #tpu.memory_space<semaphore_mem>>) src(%arg10 : memref<128x128xf32, #tpu.memory_space<vmem>>) dst(%dma_wait3A_60 : memref<10008x128xf32, #tpu.memory_space<vmem_shared>>)
          tpu.yield
        }) : () -> ()
      }
      %scan3A_19 = arith.constant 8 : i32
    }
    %scan3A_8 = arith.constant 10 : i32
    %barrier3A_9 = arith.constant 0 : index
    tpu.barrier barrier_id(%barrier3A_9)
    "tpu.region"() ({
      %run_scoped3A = tpu.sem_alloc : memref<!tpu.dma_semaphore, #tpu.memory_space<semaphore_mem>>
      %dma_start3A = arith.constant 0 : i32
      %dma_start3A_10 = tpu.memref_slice %arg6[%arg0, %multiple_of3A, %dma_start3A] : memref<2x10000x128xf32, #tpu.memory_space<hbm>> -> memref<1x632x128xf32, #tpu.memory_space<hbm>>
      %dma_start3A_11 = tpu.memref_squeeze %dma_start3A_10 : memref<1x632x128xf32, #tpu.memory_space<hbm>> -> memref<632x128xf32, #tpu.memory_space<hbm>>
      %dma_start3A_12 = arith.constant 0 : i32
      %dma_start3A_13 = tpu.memref_slice %arg11[%multiple_of3A, %dma_start3A_12] : memref<10008x128xf32, #tpu.memory_space<vmem_shared>> -> memref<632x128xf32, #tpu.memory_space<vmem_shared>>
      tpu.enqueue_dma source(%dma_start3A_13 : memref<632x128xf32, #tpu.memory_space<vmem_shared>>) target(%dma_start3A_11 : memref<632x128xf32, #tpu.memory_space<hbm>>) target_semaphore(%run_scoped3A : memref<!tpu.dma_semaphore, #tpu.memory_space<semaphore_mem>>)
      %dma_wait3A = arith.constant 0 : i32
      %dma_wait3A_14 = tpu.memref_slice %arg6[%arg0, %multiple_of3A, %dma_wait3A] : memref<2x10000x128xf32, #tpu.memory_space<hbm>> -> memref<1x632x128xf32, #tpu.memory_space<hbm>>
      %dma_wait3A_15 = tpu.memref_squeeze %dma_wait3A_14 : memref<1x632x128xf32, #tpu.memory_space<hbm>> -> memref<632x128xf32, #tpu.memory_space<hbm>>
      %dma_wait3A_16 = arith.constant 0 : i32
      %dma_wait3A_17 = tpu.memref_slice %arg11[%multiple_of3A, %dma_wait3A_16] : memref<10008x128xf32, #tpu.memory_space<vmem_shared>> -> memref<632x128xf32, #tpu.memory_space<vmem_shared>>
      tpu.wait_dma2 semaphore(%run_scoped3A : memref<!tpu.dma_semaphore, #tpu.memory_space<semaphore_mem>>) src(%dma_wait3A_17 : memref<632x128xf32, #tpu.memory_space<vmem_shared>>) dst(%dma_wait3A_15 : memref<632x128xf32, #tpu.memory_space<hbm>>)
      tpu.yield
    }) : () -> ()
    return
  }
}

#map = affine_map<(d0, d1) -> (0, 0)>
#map1 = affine_map<(d0, d1) -> (0, 0, 0)>
module attributes {stable_mosaic.version = 14 : i64} {
  func.func @_edge_agg_body(%arg0: i32, %arg1: i32, %arg2: memref<80000x128xf32, #tpu.memory_space<hbm>>, %arg3: memref<32x160x128xi32, #tpu.memory_space<hbm>>, %arg4: memref<32x160x128xi32, #tpu.memory_space<hbm>>, %arg5: memref<2x10000x128xf32, #tpu.memory_space<hbm>>, %arg6: memref<2x10000x128xf32, #tpu.memory_space<hbm>>, %arg7: memref<16x128xi32, #tpu.memory_space<vmem>>, %arg8: memref<16x128xi32, #tpu.memory_space<vmem>>, %arg9: memref<128x128xf32, #tpu.memory_space<vmem>>, %arg10: memref<128x128xf32, #tpu.memory_space<vmem>>, %arg11: memref<10008x128xf32, #tpu.memory_space<vmem_shared>>, %arg12: memref<!tpu.dma_semaphore, #tpu.memory_space<semaphore_mem>>, %arg13: memref<!tpu.dma_semaphore, #tpu.memory_space<semaphore_mem>>) attributes {dimension_semantics = [#tpu.dimension_semantics<core_parallel>, #tpu.dimension_semantics<subcore_parallel>], iteration_bounds = array<i64: 2, 16>, scalar_prefetch = 0 : i64, scratch_operands = 7 : i64, tpu.core_type = #tpu.core_type<sc_vector_subcore>, window_params = [{transform_indices = #map}, {transform_indices = #map1}, {transform_indices = #map1}, {transform_indices = #map1}, {transform_indices = #map1}]} {
    %mul3A = arith.constant 16 : i32
    %mul3A_0 = arith.muli %arg0, %mul3A : i32
    %add3A = arith.addi %mul3A_0, %arg1 : i32
    %mul3A_1 = arith.constant 632 : i32
    %mul3A_2 = arith.muli %arg1, %mul3A_1 : i32
    %min3A = arith.constant 9368 : i32
    %min3A_3 = arith.minsi %mul3A_2, %min3A : i32
    %multiple_of3A = tpu.assume_multiple %min3A_3, 8 : i32
    "tpu.region"() ({
      %run_scoped3A = tpu.sem_alloc : memref<!tpu.dma_semaphore, #tpu.memory_space<semaphore_mem>>
      %dma_start3A = arith.constant 0 : i32
      %dma_start3A_10 = tpu.memref_slice %arg11[%multiple_of3A, %dma_start3A] : memref<10008x128xf32, #tpu.memory_space<vmem_shared>> -> memref<632x128xf32, #tpu.memory_space<vmem_shared>>
      %dma_start3A_11 = arith.constant 0 : i32
      %dma_start3A_12 = tpu.memref_slice %arg5[%arg0, %multiple_of3A, %dma_start3A_11] : memref<2x10000x128xf32, #tpu.memory_space<hbm>> -> memref<1x632x128xf32, #tpu.memory_space<hbm>>
      %dma_start3A_13 = tpu.memref_squeeze %dma_start3A_12 : memref<1x632x128xf32, #tpu.memory_space<hbm>> -> memref<632x128xf32, #tpu.memory_space<hbm>>
      tpu.enqueue_dma source(%dma_start3A_13 : memref<632x128xf32, #tpu.memory_space<hbm>>) target(%dma_start3A_10 : memref<632x128xf32, #tpu.memory_space<vmem_shared>>) target_semaphore(%run_scoped3A : memref<!tpu.dma_semaphore, #tpu.memory_space<semaphore_mem>>)
      %dma_wait3A = arith.constant 0 : i32
      %dma_wait3A_14 = tpu.memref_slice %arg11[%multiple_of3A, %dma_wait3A] : memref<10008x128xf32, #tpu.memory_space<vmem_shared>> -> memref<632x128xf32, #tpu.memory_space<vmem_shared>>
      %dma_wait3A_15 = arith.constant 0 : i32
      %dma_wait3A_16 = tpu.memref_slice %arg5[%arg0, %multiple_of3A, %dma_wait3A_15] : memref<2x10000x128xf32, #tpu.memory_space<hbm>> -> memref<1x632x128xf32, #tpu.memory_space<hbm>>
      %dma_wait3A_17 = tpu.memref_squeeze %dma_wait3A_16 : memref<1x632x128xf32, #tpu.memory_space<hbm>> -> memref<632x128xf32, #tpu.memory_space<hbm>>
      tpu.wait_dma2 semaphore(%run_scoped3A : memref<!tpu.dma_semaphore, #tpu.memory_space<semaphore_mem>>) src(%dma_wait3A_17 : memref<632x128xf32, #tpu.memory_space<hbm>>) dst(%dma_wait3A_14 : memref<632x128xf32, #tpu.memory_space<vmem_shared>>)
      tpu.yield
    }) : () -> ()
    %barrier3A = arith.constant 0 : index
    tpu.barrier barrier_id(%barrier3A)
    %scan3A = arith.constant 0 : i32
    %scan3A_4 = arith.constant 0 : i32
    %scan3A_5 = arith.constant 10 : i32
    %scan3A_6 = arith.addi %scan3A_4, %scan3A_5 : i32
    %scan3A_7 = arith.constant 1 : i32
    scf.for %scan3A_10 = %scan3A_4 to %scan3A_6 step %scan3A_7  : i32 {
      %mul3A_11 = arith.constant 16 : i32
      %mul3A_12 = arith.muli %scan3A_10, %mul3A_11 : i32
      %multiple_of3A_13 = tpu.assume_multiple %mul3A_12, 8 : i32
      "tpu.region"() ({
        %run_scoped3A = tpu.sem_alloc : memref<!tpu.dma_semaphore, #tpu.memory_space<semaphore_mem>>
        %dma_start3A = arith.constant 0 : i32
        %dma_start3A_20 = tpu.memref_slice %arg3[%add3A, %multiple_of3A_13, %dma_start3A] : memref<32x160x128xi32, #tpu.memory_space<hbm>> -> memref<1x16x128xi32, #tpu.memory_space<hbm>>
        %dma_start3A_21 = tpu.memref_squeeze %dma_start3A_20 : memref<1x16x128xi32, #tpu.memory_space<hbm>> -> memref<16x128xi32, #tpu.memory_space<hbm>>
        %dma_start3A_22 = arith.constant 0 : i32
        %dma_start3A_23 = tpu.memref_slice %arg3[%add3A, %multiple_of3A_13, %dma_start3A_22] : memref<32x160x128xi32, #tpu.memory_space<hbm>> -> memref<1x16x128xi32, #tpu.memory_space<hbm>>
        %dma_start3A_24 = tpu.memref_squeeze %dma_start3A_23 : memref<1x16x128xi32, #tpu.memory_space<hbm>> -> memref<16x128xi32, #tpu.memory_space<hbm>>
        tpu.enqueue_dma source(%dma_start3A_24 : memref<16x128xi32, #tpu.memory_space<hbm>>) target(%arg7 : memref<16x128xi32, #tpu.memory_space<vmem>>) target_semaphore(%run_scoped3A : memref<!tpu.dma_semaphore, #tpu.memory_space<semaphore_mem>>)
        %dma_wait3A = arith.constant 0 : i32
        %dma_wait3A_25 = tpu.memref_slice %arg3[%add3A, %multiple_of3A_13, %dma_wait3A] : memref<32x160x128xi32, #tpu.memory_space<hbm>> -> memref<1x16x128xi32, #tpu.memory_space<hbm>>
        %dma_wait3A_26 = tpu.memref_squeeze %dma_wait3A_25 : memref<1x16x128xi32, #tpu.memory_space<hbm>> -> memref<16x128xi32, #tpu.memory_space<hbm>>
        %dma_wait3A_27 = arith.constant 0 : i32
        %dma_wait3A_28 = tpu.memref_slice %arg3[%add3A, %multiple_of3A_13, %dma_wait3A_27] : memref<32x160x128xi32, #tpu.memory_space<hbm>> -> memref<1x16x128xi32, #tpu.memory_space<hbm>>
        %dma_wait3A_29 = tpu.memref_squeeze %dma_wait3A_28 : memref<1x16x128xi32, #tpu.memory_space<hbm>> -> memref<16x128xi32, #tpu.memory_space<hbm>>
        tpu.wait_dma2 semaphore(%run_scoped3A : memref<!tpu.dma_semaphore, #tpu.memory_space<semaphore_mem>>) src(%dma_wait3A_29 : memref<16x128xi32, #tpu.memory_space<hbm>>) dst(%arg7 : memref<16x128xi32, #tpu.memory_space<vmem>>)
        tpu.yield
      }) : () -> ()
      "tpu.region"() ({
        %run_scoped3A = tpu.sem_alloc : memref<!tpu.dma_semaphore, #tpu.memory_space<semaphore_mem>>
        %dma_start3A = arith.constant 0 : i32
        %dma_start3A_20 = tpu.memref_slice %arg4[%add3A, %multiple_of3A_13, %dma_start3A] : memref<32x160x128xi32, #tpu.memory_space<hbm>> -> memref<1x16x128xi32, #tpu.memory_space<hbm>>
        %dma_start3A_21 = tpu.memref_squeeze %dma_start3A_20 : memref<1x16x128xi32, #tpu.memory_space<hbm>> -> memref<16x128xi32, #tpu.memory_space<hbm>>
        %dma_start3A_22 = arith.constant 0 : i32
        %dma_start3A_23 = tpu.memref_slice %arg4[%add3A, %multiple_of3A_13, %dma_start3A_22] : memref<32x160x128xi32, #tpu.memory_space<hbm>> -> memref<1x16x128xi32, #tpu.memory_space<hbm>>
        %dma_start3A_24 = tpu.memref_squeeze %dma_start3A_23 : memref<1x16x128xi32, #tpu.memory_space<hbm>> -> memref<16x128xi32, #tpu.memory_space<hbm>>
        tpu.enqueue_dma source(%dma_start3A_24 : memref<16x128xi32, #tpu.memory_space<hbm>>) target(%arg8 : memref<16x128xi32, #tpu.memory_space<vmem>>) target_semaphore(%run_scoped3A : memref<!tpu.dma_semaphore, #tpu.memory_space<semaphore_mem>>)
        %dma_wait3A = arith.constant 0 : i32
        %dma_wait3A_25 = tpu.memref_slice %arg4[%add3A, %multiple_of3A_13, %dma_wait3A] : memref<32x160x128xi32, #tpu.memory_space<hbm>> -> memref<1x16x128xi32, #tpu.memory_space<hbm>>
        %dma_wait3A_26 = tpu.memref_squeeze %dma_wait3A_25 : memref<1x16x128xi32, #tpu.memory_space<hbm>> -> memref<16x128xi32, #tpu.memory_space<hbm>>
        %dma_wait3A_27 = arith.constant 0 : i32
        %dma_wait3A_28 = tpu.memref_slice %arg4[%add3A, %multiple_of3A_13, %dma_wait3A_27] : memref<32x160x128xi32, #tpu.memory_space<hbm>> -> memref<1x16x128xi32, #tpu.memory_space<hbm>>
        %dma_wait3A_29 = tpu.memref_squeeze %dma_wait3A_28 : memref<1x16x128xi32, #tpu.memory_space<hbm>> -> memref<16x128xi32, #tpu.memory_space<hbm>>
        tpu.wait_dma2 semaphore(%run_scoped3A : memref<!tpu.dma_semaphore, #tpu.memory_space<semaphore_mem>>) src(%dma_wait3A_29 : memref<16x128xi32, #tpu.memory_space<hbm>>) dst(%arg8 : memref<16x128xi32, #tpu.memory_space<vmem>>)
        tpu.yield
      }) : () -> ()
      %scan3A_14 = arith.constant 0 : i32
      %scan3A_15 = arith.constant 0 : i32
      %scan3A_16 = arith.constant 8 : i32
      %scan3A_17 = arith.addi %scan3A_15, %scan3A_16 : i32
      %scan3A_18 = arith.constant 1 : i32
      scf.for %scan3A_20 = %scan3A_15 to %scan3A_17 step %scan3A_18  : i32 {
        %mul3A_21 = arith.constant 2 : i32
        %mul3A_22 = arith.muli %mul3A_21, %scan3A_20 : i32
        %mul3A_23 = arith.constant 2 : i32
        %mul3A_24 = arith.muli %mul3A_23, %scan3A_20 : i32
        %add3A_25 = arith.constant 1 : i32
        %add3A_26 = arith.addi %mul3A_24, %add3A_25 : i32
        %dma_start3A = arith.constant 0 : i32
        %dma_start3A_27 = tpu.memref_slice %arg7[%mul3A_22, %dma_start3A] : memref<16x128xi32, #tpu.memory_space<vmem>> -> memref<1x128xi32, #tpu.memory_space<vmem>>
        %dma_start3A_28 = tpu.memref_squeeze %dma_start3A_27 : memref<1x128xi32, #tpu.memory_space<vmem>> -> memref<128xi32, #tpu.memory_space<vmem>>
        %dma_start3A_29 = arith.constant 0 : i32
        %dma_start3A_30 = arith.constant 0 : i32
        %dma_start3A_31 = tpu.memref_slice %arg2[%dma_start3A_29, %dma_start3A_30] : memref<80000x128xf32, #tpu.memory_space<hbm>> -> memref<80000x128xf32, #tpu.memory_space<hbm>>
        tpu.enqueue_indirect_dma source(%dma_start3A_31 : memref<80000x128xf32, #tpu.memory_space<hbm>>) target(%arg9 : memref<128x128xf32, #tpu.memory_space<vmem>>) offsets(%dma_start3A_28 : memref<128xi32, #tpu.memory_space<vmem>>) semaphore(%arg12 : memref<!tpu.dma_semaphore, #tpu.memory_space<semaphore_mem>>)
        %dma_start3A_32 = arith.constant 0 : i32
        %dma_start3A_33 = tpu.memref_slice %arg7[%add3A_26, %dma_start3A_32] : memref<16x128xi32, #tpu.memory_space<vmem>> -> memref<1x128xi32, #tpu.memory_space<vmem>>
        %dma_start3A_34 = tpu.memref_squeeze %dma_start3A_33 : memref<1x128xi32, #tpu.memory_space<vmem>> -> memref<128xi32, #tpu.memory_space<vmem>>
        %dma_start3A_35 = arith.constant 0 : i32
        %dma_start3A_36 = arith.constant 0 : i32
        %dma_start3A_37 = tpu.memref_slice %arg2[%dma_start3A_35, %dma_start3A_36] : memref<80000x128xf32, #tpu.memory_space<hbm>> -> memref<80000x128xf32, #tpu.memory_space<hbm>>
        tpu.enqueue_indirect_dma source(%dma_start3A_37 : memref<80000x128xf32, #tpu.memory_space<hbm>>) target(%arg10 : memref<128x128xf32, #tpu.memory_space<vmem>>) offsets(%dma_start3A_34 : memref<128xi32, #tpu.memory_space<vmem>>) semaphore(%arg13 : memref<!tpu.dma_semaphore, #tpu.memory_space<semaphore_mem>>)
        %dma_wait3A = arith.constant 0 : i32
        %dma_wait3A_38 = tpu.memref_slice %arg7[%mul3A_22, %dma_wait3A] : memref<16x128xi32, #tpu.memory_space<vmem>> -> memref<1x128xi32, #tpu.memory_space<vmem>>
        %dma_wait3A_39 = tpu.memref_squeeze %dma_wait3A_38 : memref<1x128xi32, #tpu.memory_space<vmem>> -> memref<128xi32, #tpu.memory_space<vmem>>
        %dma_wait3A_40 = arith.constant 0 : i32
        %dma_wait3A_41 = arith.constant 0 : i32
        %dma_wait3A_42 = tpu.memref_slice %arg2[%dma_wait3A_40, %dma_wait3A_41] : memref<80000x128xf32, #tpu.memory_space<hbm>> -> memref<80000x128xf32, #tpu.memory_space<hbm>>
        tpu.wait_indirect_dma semaphore(%arg12 : memref<!tpu.dma_semaphore, #tpu.memory_space<semaphore_mem>>) src(%dma_wait3A_42 : memref<80000x128xf32, #tpu.memory_space<hbm>>) dst(%arg9 : memref<128x128xf32, #tpu.memory_space<vmem>>)
        "tpu.region"() ({
          %run_scoped3A = tpu.sem_alloc : memref<!tpu.dma_semaphore, #tpu.memory_space<semaphore_mem>>
          %dma_start3A_49 = arith.constant 0 : i32
          %dma_start3A_50 = tpu.memref_slice %arg8[%mul3A_22, %dma_start3A_49] : memref<16x128xi32, #tpu.memory_space<vmem>> -> memref<1x128xi32, #tpu.memory_space<vmem>>
          %dma_start3A_51 = tpu.memref_squeeze %dma_start3A_50 : memref<1x128xi32, #tpu.memory_space<vmem>> -> memref<128xi32, #tpu.memory_space<vmem>>
          %dma_start3A_52 = arith.constant 0 : i32
          %dma_start3A_53 = arith.constant 0 : i32
          %dma_start3A_54 = tpu.memref_slice %arg11[%dma_start3A_52, %dma_start3A_53] : memref<10008x128xf32, #tpu.memory_space<vmem_shared>> -> memref<10008x128xf32, #tpu.memory_space<vmem_shared>>
          tpu.enqueue_indirect_dma source(%arg9 : memref<128x128xf32, #tpu.memory_space<vmem>>) target(%dma_start3A_54 : memref<10008x128xf32, #tpu.memory_space<vmem_shared>>) offsets(%dma_start3A_51 : memref<128xi32, #tpu.memory_space<vmem>>) semaphore(%run_scoped3A : memref<!tpu.dma_semaphore, #tpu.memory_space<semaphore_mem>>) {add = true}
          %dma_wait3A_55 = arith.constant 0 : i32
          %dma_wait3A_56 = tpu.memref_slice %arg8[%mul3A_22, %dma_wait3A_55] : memref<16x128xi32, #tpu.memory_space<vmem>> -> memref<1x128xi32, #tpu.memory_space<vmem>>
          %dma_wait3A_57 = tpu.memref_squeeze %dma_wait3A_56 : memref<1x128xi32, #tpu.memory_space<vmem>> -> memref<128xi32, #tpu.memory_space<vmem>>
          %dma_wait3A_58 = arith.constant 0 : i32
          %dma_wait3A_59 = arith.constant 0 : i32
          %dma_wait3A_60 = tpu.memref_slice %arg11[%dma_wait3A_58, %dma_wait3A_59] : memref<10008x128xf32, #tpu.memory_space<vmem_shared>> -> memref<10008x128xf32, #tpu.memory_space<vmem_shared>>
          tpu.wait_indirect_dma semaphore(%run_scoped3A : memref<!tpu.dma_semaphore, #tpu.memory_space<semaphore_mem>>) src(%arg9 : memref<128x128xf32, #tpu.memory_space<vmem>>) dst(%dma_wait3A_60 : memref<10008x128xf32, #tpu.memory_space<vmem_shared>>)
          tpu.yield
        }) : () -> ()
        %dma_wait3A_43 = arith.constant 0 : i32
        %dma_wait3A_44 = tpu.memref_slice %arg7[%add3A_26, %dma_wait3A_43] : memref<16x128xi32, #tpu.memory_space<vmem>> -> memref<1x128xi32, #tpu.memory_space<vmem>>
        %dma_wait3A_45 = tpu.memref_squeeze %dma_wait3A_44 : memref<1x128xi32, #tpu.memory_space<vmem>> -> memref<128xi32, #tpu.memory_space<vmem>>
        %dma_wait3A_46 = arith.constant 0 : i32
        %dma_wait3A_47 = arith.constant 0 : i32
        %dma_wait3A_48 = tpu.memref_slice %arg2[%dma_wait3A_46, %dma_wait3A_47] : memref<80000x128xf32, #tpu.memory_space<hbm>> -> memref<80000x128xf32, #tpu.memory_space<hbm>>
        tpu.wait_indirect_dma semaphore(%arg13 : memref<!tpu.dma_semaphore, #tpu.memory_space<semaphore_mem>>) src(%dma_wait3A_48 : memref<80000x128xf32, #tpu.memory_space<hbm>>) dst(%arg10 : memref<128x128xf32, #tpu.memory_space<vmem>>)
        "tpu.region"() ({
          %run_scoped3A = tpu.sem_alloc : memref<!tpu.dma_semaphore, #tpu.memory_space<semaphore_mem>>
          %dma_start3A_49 = arith.constant 0 : i32
          %dma_start3A_50 = tpu.memref_slice %arg8[%add3A_26, %dma_start3A_49] : memref<16x128xi32, #tpu.memory_space<vmem>> -> memref<1x128xi32, #tpu.memory_space<vmem>>
          %dma_start3A_51 = tpu.memref_squeeze %dma_start3A_50 : memref<1x128xi32, #tpu.memory_space<vmem>> -> memref<128xi32, #tpu.memory_space<vmem>>
          %dma_start3A_52 = arith.constant 0 : i32
          %dma_start3A_53 = arith.constant 0 : i32
          %dma_start3A_54 = tpu.memref_slice %arg11[%dma_start3A_52, %dma_start3A_53] : memref<10008x128xf32, #tpu.memory_space<vmem_shared>> -> memref<10008x128xf32, #tpu.memory_space<vmem_shared>>
          tpu.enqueue_indirect_dma source(%arg10 : memref<128x128xf32, #tpu.memory_space<vmem>>) target(%dma_start3A_54 : memref<10008x128xf32, #tpu.memory_space<vmem_shared>>) offsets(%dma_start3A_51 : memref<128xi32, #tpu.memory_space<vmem>>) semaphore(%run_scoped3A : memref<!tpu.dma_semaphore, #tpu.memory_space<semaphore_mem>>) {add = true}
          %dma_wait3A_55 = arith.constant 0 : i32
          %dma_wait3A_56 = tpu.memref_slice %arg8[%add3A_26, %dma_wait3A_55] : memref<16x128xi32, #tpu.memory_space<vmem>> -> memref<1x128xi32, #tpu.memory_space<vmem>>
          %dma_wait3A_57 = tpu.memref_squeeze %dma_wait3A_56 : memref<1x128xi32, #tpu.memory_space<vmem>> -> memref<128xi32, #tpu.memory_space<vmem>>
          %dma_wait3A_58 = arith.constant 0 : i32
          %dma_wait3A_59 = arith.constant 0 : i32
          %dma_wait3A_60 = tpu.memref_slice %arg11[%dma_wait3A_58, %dma_wait3A_59] : memref<10008x128xf32, #tpu.memory_space<vmem_shared>> -> memref<10008x128xf32, #tpu.memory_space<vmem_shared>>
          tpu.wait_indirect_dma semaphore(%run_scoped3A : memref<!tpu.dma_semaphore, #tpu.memory_space<semaphore_mem>>) src(%arg10 : memref<128x128xf32, #tpu.memory_space<vmem>>) dst(%dma_wait3A_60 : memref<10008x128xf32, #tpu.memory_space<vmem_shared>>)
          tpu.yield
        }) : () -> ()
      }
      %scan3A_19 = arith.constant 8 : i32
    }
    %scan3A_8 = arith.constant 10 : i32
    %barrier3A_9 = arith.constant 0 : index
    tpu.barrier barrier_id(%barrier3A_9)
    "tpu.region"() ({
      %run_scoped3A = tpu.sem_alloc : memref<!tpu.dma_semaphore, #tpu.memory_space<semaphore_mem>>
      %dma_start3A = arith.constant 0 : i32
      %dma_start3A_10 = tpu.memref_slice %arg6[%arg0, %multiple_of3A, %dma_start3A] : memref<2x10000x128xf32, #tpu.memory_space<hbm>> -> memref<1x632x128xf32, #tpu.memory_space<hbm>>
      %dma_start3A_11 = tpu.memref_squeeze %dma_start3A_10 : memref<1x632x128xf32, #tpu.memory_space<hbm>> -> memref<632x128xf32, #tpu.memory_space<hbm>>
      %dma_start3A_12 = arith.constant 0 : i32
      %dma_start3A_13 = tpu.memref_slice %arg11[%multiple_of3A, %dma_start3A_12] : memref<10008x128xf32, #tpu.memory_space<vmem_shared>> -> memref<632x128xf32, #tpu.memory_space<vmem_shared>>
      tpu.enqueue_dma source(%dma_start3A_13 : memref<632x128xf32, #tpu.memory_space<vmem_shared>>) target(%dma_start3A_11 : memref<632x128xf32, #tpu.memory_space<hbm>>) target_semaphore(%run_scoped3A : memref<!tpu.dma_semaphore, #tpu.memory_space<semaphore_mem>>)
      %dma_wait3A = arith.constant 0 : i32
      %dma_wait3A_14 = tpu.memref_slice %arg6[%arg0, %multiple_of3A, %dma_wait3A] : memref<2x10000x128xf32, #tpu.memory_space<hbm>> -> memref<1x632x128xf32, #tpu.memory_space<hbm>>
      %dma_wait3A_15 = tpu.memref_squeeze %dma_wait3A_14 : memref<1x632x128xf32, #tpu.memory_space<hbm>> -> memref<632x128xf32, #tpu.memory_space<hbm>>
      %dma_wait3A_16 = arith.constant 0 : i32
      %dma_wait3A_17 = tpu.memref_slice %arg11[%multiple_of3A, %dma_wait3A_16] : memref<10008x128xf32, #tpu.memory_space<vmem_shared>> -> memref<632x128xf32, #tpu.memory_space<vmem_shared>>
      tpu.wait_dma2 semaphore(%run_scoped3A : memref<!tpu.dma_semaphore, #tpu.memory_space<semaphore_mem>>) src(%dma_wait3A_17 : memref<632x128xf32, #tpu.memory_space<vmem_shared>>) dst(%dma_wait3A_15 : memref<632x128xf32, #tpu.memory_space<hbm>>)
      tpu.yield
    }) : () -> ()
    return
  }
}

module attributes {stable_mosaic.version = 14 : i64} {
  func.func @_transform_body(%arg0: i32, %arg1: i32, %arg2: memref<1x1000x128xf32, #tpu.memory_space<vmem>>, %arg3: memref<4x128x128xf32, #tpu.memory_space<vmem>>, %arg4: memref<128x128xf32, #tpu.memory_space<vmem>>, %arg5: memref<1x4x1000x128xf32, #tpu.memory_space<vmem>>, %arg6: memref<1x1000x128xf32, #tpu.memory_space<vmem>>) attributes {dimension_semantics = [#tpu.dimension_semantics<arbitrary>, #tpu.dimension_semantics<arbitrary>], iteration_bounds = array<i64: 2, 10>, scalar_prefetch = 0 : i64, scratch_operands = 0 : i64, tpu.core_type = #tpu.core_type<tc>, window_params = [{transform_indices = @transform_0, window_bounds = array<i64: 1, 1000, 128>}, {pipeline_mode = #tpu.pipeline_mode<synchronous>, transform_indices = @transform_1, window_bounds = array<i64: 4, 128, 128>}, {pipeline_mode = #tpu.pipeline_mode<synchronous>, transform_indices = @transform_2, window_bounds = array<i64: 128, 128>}, {transform_indices = @transform_3, window_bounds = array<i64: 1, 4, 1000, 128>}, {transform_indices = @transform_4, window_bounds = array<i64: 1, 1000, 128>}]} {
    %get3A = arith.constant 0 : index
    %get3A_0 = arith.constant 0 : index
    %get3A_1 = arith.constant 0 : index
    %get3A_2 = vector.load %arg2[%get3A, %get3A_0, %get3A_1] : memref<1x1000x128xf32, #tpu.memory_space<vmem>>, vector<1x1000x128xf32>
    %get3A_3 = vector.shape_cast %get3A_2 : vector<1x1000x128xf32> to vector<1000x128xf32>
    %get3A_4 = arith.constant 0 : index
    %get3A_5 = arith.constant 0 : index
    %get3A_6 = arith.constant 0 : index
    %get3A_7 = vector.load %arg3[%get3A_4, %get3A_5, %get3A_6] : memref<4x128x128xf32, #tpu.memory_space<vmem>>, vector<1x128x128xf32>
    %get3A_8 = vector.shape_cast %get3A_7 : vector<1x128x128xf32> to vector<128x128xf32>
    %dot_general3A = arith.constant dense<0.000000e+00> : vector<1000x128xf32>
    %dot_general3A_9 = tpu.matmul %get3A_3, %get3A_8, %dot_general3A {dimension_numbers = #tpu.dot_dimension_numbers<[1], [0], [0], [1], [0, 0, 1, 1], [], []>, transpose_lhs_hint = false} : vector<1000x128xf32>, vector<128x128xf32>, vector<1000x128xf32> -> vector<1000x128xf32>
    %swap3A = arith.constant 0 : index
    %swap3A_10 = arith.constant 0 : index
    %swap3A_11 = arith.constant 0 : index
    %swap3A_12 = arith.constant 0 : index
    %swap3A_13 = vector.load %arg5[%swap3A, %swap3A_10, %swap3A_11, %swap3A_12] : memref<1x4x1000x128xf32, #tpu.memory_space<vmem>>, vector<1x1x1000x128xf32>
    %swap3A_14 = vector.shape_cast %swap3A_13 : vector<1x1x1000x128xf32> to vector<1000x128xf32>
    %swap3A_15 = vector.shape_cast %dot_general3A_9 : vector<1000x128xf32> to vector<1x1x1000x128xf32>
    tpu.vector_store %arg5[%swap3A, %swap3A_10, %swap3A_11, %swap3A_12], %swap3A_15 {strides = array<i32>} : memref<1x4x1000x128xf32, #tpu.memory_space<vmem>>, vector<1x1x1000x128xf32>,
    %get3A_16 = arith.constant 1 : index
    %get3A_17 = arith.constant 0 : index
    %get3A_18 = arith.constant 0 : index
    %get3A_19 = vector.load %arg3[%get3A_16, %get3A_17, %get3A_18] : memref<4x128x128xf32, #tpu.memory_space<vmem>>, vector<1x128x128xf32>
    %get3A_20 = vector.shape_cast %get3A_19 : vector<1x128x128xf32> to vector<128x128xf32>
    %dot_general3A_21 = arith.constant dense<0.000000e+00> : vector<1000x128xf32>
    %dot_general3A_22 = tpu.matmul %get3A_3, %get3A_20, %dot_general3A_21 {dimension_numbers = #tpu.dot_dimension_numbers<[1], [0], [0], [1], [0, 0, 1, 1], [], []>, transpose_lhs_hint = false} : vector<1000x128xf32>, vector<128x128xf32>, vector<1000x128xf32> -> vector<1000x128xf32>
    %swap3A_23 = arith.constant 0 : index
    %swap3A_24 = arith.constant 1 : index
    %swap3A_25 = arith.constant 0 : index
    %swap3A_26 = arith.constant 0 : index
    %swap3A_27 = vector.load %arg5[%swap3A_23, %swap3A_24, %swap3A_25, %swap3A_26] : memref<1x4x1000x128xf32, #tpu.memory_space<vmem>>, vector<1x1x1000x128xf32>
    %swap3A_28 = vector.shape_cast %swap3A_27 : vector<1x1x1000x128xf32> to vector<1000x128xf32>
    %swap3A_29 = vector.shape_cast %dot_general3A_22 : vector<1000x128xf32> to vector<1x1x1000x128xf32>
    tpu.vector_store %arg5[%swap3A_23, %swap3A_24, %swap3A_25, %swap3A_26], %swap3A_29 {strides = array<i32>} : memref<1x4x1000x128xf32, #tpu.memory_space<vmem>>, vector<1x1x1000x128xf32>,
    %get3A_30 = arith.constant 2 : index
    %get3A_31 = arith.constant 0 : index
    %get3A_32 = arith.constant 0 : index
    %get3A_33 = vector.load %arg3[%get3A_30, %get3A_31, %get3A_32] : memref<4x128x128xf32, #tpu.memory_space<vmem>>, vector<1x128x128xf32>
    %get3A_34 = vector.shape_cast %get3A_33 : vector<1x128x128xf32> to vector<128x128xf32>
    %dot_general3A_35 = arith.constant dense<0.000000e+00> : vector<1000x128xf32>
    %dot_general3A_36 = tpu.matmul %get3A_3, %get3A_34, %dot_general3A_35 {dimension_numbers = #tpu.dot_dimension_numbers<[1], [0], [0], [1], [0, 0, 1, 1], [], []>, transpose_lhs_hint = false} : vector<1000x128xf32>, vector<128x128xf32>, vector<1000x128xf32> -> vector<1000x128xf32>
    %swap3A_37 = arith.constant 0 : index
    %swap3A_38 = arith.constant 2 : index
    %swap3A_39 = arith.constant 0 : index
    %swap3A_40 = arith.constant 0 : index
    %swap3A_41 = vector.load %arg5[%swap3A_37, %swap3A_38, %swap3A_39, %swap3A_40] : memref<1x4x1000x128xf32, #tpu.memory_space<vmem>>, vector<1x1x1000x128xf32>
    %swap3A_42 = vector.shape_cast %swap3A_41 : vector<1x1x1000x128xf32> to vector<1000x128xf32>
    %swap3A_43 = vector.shape_cast %dot_general3A_36 : vector<1000x128xf32> to vector<1x1x1000x128xf32>
    tpu.vector_store %arg5[%swap3A_37, %swap3A_38, %swap3A_39, %swap3A_40], %swap3A_43 {strides = array<i32>} : memref<1x4x1000x128xf32, #tpu.memory_space<vmem>>, vector<1x1x1000x128xf32>,
    %get3A_44 = arith.constant 3 : index
    %get3A_45 = arith.constant 0 : index
    %get3A_46 = arith.constant 0 : index
    %get3A_47 = vector.load %arg3[%get3A_44, %get3A_45, %get3A_46] : memref<4x128x128xf32, #tpu.memory_space<vmem>>, vector<1x128x128xf32>
    %get3A_48 = vector.shape_cast %get3A_47 : vector<1x128x128xf32> to vector<128x128xf32>
    %dot_general3A_49 = arith.constant dense<0.000000e+00> : vector<1000x128xf32>
    %dot_general3A_50 = tpu.matmul %get3A_3, %get3A_48, %dot_general3A_49 {dimension_numbers = #tpu.dot_dimension_numbers<[1], [0], [0], [1], [0, 0, 1, 1], [], []>, transpose_lhs_hint = false} : vector<1000x128xf32>, vector<128x128xf32>, vector<1000x128xf32> -> vector<1000x128xf32>
    %swap3A_51 = arith.constant 0 : index
    %swap3A_52 = arith.constant 3 : index
    %swap3A_53 = arith.constant 0 : index
    %swap3A_54 = arith.constant 0 : index
    %swap3A_55 = vector.load %arg5[%swap3A_51, %swap3A_52, %swap3A_53, %swap3A_54] : memref<1x4x1000x128xf32, #tpu.memory_space<vmem>>, vector<1x1x1000x128xf32>
    %swap3A_56 = vector.shape_cast %swap3A_55 : vector<1x1x1000x128xf32> to vector<1000x128xf32>
    %swap3A_57 = vector.shape_cast %dot_general3A_50 : vector<1000x128xf32> to vector<1x1x1000x128xf32>
    tpu.vector_store %arg5[%swap3A_51, %swap3A_52, %swap3A_53, %swap3A_54], %swap3A_57 {strides = array<i32>} : memref<1x4x1000x128xf32, #tpu.memory_space<vmem>>, vector<1x1x1000x128xf32>,
    %get3A_58 = arith.constant 0 : index
    %get3A_59 = arith.constant 0 : index
    %get3A_60 = vector.load %arg4[%get3A_58, %get3A_59] : memref<128x128xf32, #tpu.memory_space<vmem>>, vector<128x128xf32>
    %dot_general3A_61 = arith.constant dense<0.000000e+00> : vector<1000x128xf32>
    %dot_general3A_62 = tpu.matmul %get3A_3, %get3A_60, %dot_general3A_61 {dimension_numbers = #tpu.dot_dimension_numbers<[1], [0], [0], [1], [0, 0, 1, 1], [], []>, transpose_lhs_hint = false} : vector<1000x128xf32>, vector<128x128xf32>, vector<1000x128xf32> -> vector<1000x128xf32>
    %swap3A_63 = arith.constant 0 : index
    %swap3A_64 = arith.constant 0 : index
    %swap3A_65 = arith.constant 0 : index
    %swap3A_66 = vector.load %arg6[%swap3A_63, %swap3A_64, %swap3A_65] : memref<1x1000x128xf32, #tpu.memory_space<vmem>>, vector<1x1000x128xf32>
    %swap3A_67 = vector.shape_cast %swap3A_66 : vector<1x1000x128xf32> to vector<1000x128xf32>
    %swap3A_68 = vector.shape_cast %dot_general3A_62 : vector<1000x128xf32> to vector<1x1000x128xf32>
    tpu.vector_store %arg6[%swap3A_63, %swap3A_64, %swap3A_65], %swap3A_68 {strides = array<i32>} : memref<1x1000x128xf32, #tpu.memory_space<vmem>>, vector<1x1000x128xf32>,
    return
  }
  func.func @transform_0(%arg0: i32, %arg1: i32) -> (i32, i32, i32) {
    %c0_i32 = arith.constant 0 : i32
    %c0_i32_0 = arith.constant 0 : i32
    return %arg0, %arg1, %c0_i32 : i32, i32, i32
  }
  func.func @transform_1(%arg0: i32, %arg1: i32) -> (i32, i32, i32) {
    %c0_i32 = arith.constant 0 : i32
    %c0_i32_0 = arith.constant 0 : i32
    %c0_i32_1 = arith.constant 0 : i32
    %c0_i32_2 = arith.constant 0 : i32
    return %c0_i32, %c0_i32_0, %c0_i32_1 : i32, i32, i32
  }
  func.func @transform_2(%arg0: i32, %arg1: i32) -> (i32, i32) {
    %c0_i32 = arith.constant 0 : i32
    %c0_i32_0 = arith.constant 0 : i32
    %c0_i32_1 = arith.constant 0 : i32
    return %c0_i32, %c0_i32_0 : i32, i32
  }
  func.func @transform_3(%arg0: i32, %arg1: i32) -> (i32, i32, i32, i32) {
    %c0_i32 = arith.constant 0 : i32
    %c0_i32_0 = arith.constant 0 : i32
    %c0_i32_1 = arith.constant 0 : i32
    return %arg0, %c0_i32, %arg1, %c0_i32_0 : i32, i32, i32, i32
  }
  func.func @transform_4(%arg0: i32, %arg1: i32) -> (i32, i32, i32) {
    %c0_i32 = arith.constant 0 : i32
    %c0_i32_0 = arith.constant 0 : i32
    return %arg0, %arg1, %c0_i32 : i32, i32, i32
  }
}

module attributes {stable_mosaic.version = 14 : i64} {
  func.func @_transform_body(%arg0: i32, %arg1: i32, %arg2: memref<1x1000x128xf32, #tpu.memory_space<vmem>>, %arg3: memref<4x128x128xf32, #tpu.memory_space<vmem>>, %arg4: memref<128x128xf32, #tpu.memory_space<vmem>>, %arg5: memref<1x4x1000x128xf32, #tpu.memory_space<vmem>>, %arg6: memref<1x1000x128xf32, #tpu.memory_space<vmem>>) attributes {dimension_semantics = [#tpu.dimension_semantics<arbitrary>, #tpu.dimension_semantics<arbitrary>], iteration_bounds = array<i64: 2, 10>, scalar_prefetch = 0 : i64, scratch_operands = 0 : i64, tpu.core_type = #tpu.core_type<tc>, window_params = [{transform_indices = @transform_0, window_bounds = array<i64: 1, 1000, 128>}, {pipeline_mode = #tpu.pipeline_mode<synchronous>, transform_indices = @transform_1, window_bounds = array<i64: 4, 128, 128>}, {pipeline_mode = #tpu.pipeline_mode<synchronous>, transform_indices = @transform_2, window_bounds = array<i64: 128, 128>}, {transform_indices = @transform_3, window_bounds = array<i64: 1, 4, 1000, 128>}, {transform_indices = @transform_4, window_bounds = array<i64: 1, 1000, 128>}]} {
    %get3A = arith.constant 0 : index
    %get3A_0 = arith.constant 0 : index
    %get3A_1 = arith.constant 0 : index
    %get3A_2 = vector.load %arg2[%get3A, %get3A_0, %get3A_1] : memref<1x1000x128xf32, #tpu.memory_space<vmem>>, vector<1x1000x128xf32>
    %get3A_3 = vector.shape_cast %get3A_2 : vector<1x1000x128xf32> to vector<1000x128xf32>
    %max3A = arith.constant 0.000000e+00 : f32
    %max3A_4 = vector.broadcast %max3A : f32 to vector<1000x128xf32>
    %max3A_5 = arith.maximumf %get3A_3, %max3A_4 : vector<1000x128xf32>
    %get3A_6 = arith.constant 0 : index
    %get3A_7 = arith.constant 0 : index
    %get3A_8 = arith.constant 0 : index
    %get3A_9 = vector.load %arg3[%get3A_6, %get3A_7, %get3A_8] : memref<4x128x128xf32, #tpu.memory_space<vmem>>, vector<1x128x128xf32>
    %get3A_10 = vector.shape_cast %get3A_9 : vector<1x128x128xf32> to vector<128x128xf32>
    %dot_general3A = arith.constant dense<0.000000e+00> : vector<1000x128xf32>
    %dot_general3A_11 = tpu.matmul %max3A_5, %get3A_10, %dot_general3A {dimension_numbers = #tpu.dot_dimension_numbers<[1], [0], [0], [1], [0, 0, 1, 1], [], []>, transpose_lhs_hint = false} : vector<1000x128xf32>, vector<128x128xf32>, vector<1000x128xf32> -> vector<1000x128xf32>
    %swap3A = arith.constant 0 : index
    %swap3A_12 = arith.constant 0 : index
    %swap3A_13 = arith.constant 0 : index
    %swap3A_14 = arith.constant 0 : index
    %swap3A_15 = vector.load %arg5[%swap3A, %swap3A_12, %swap3A_13, %swap3A_14] : memref<1x4x1000x128xf32, #tpu.memory_space<vmem>>, vector<1x1x1000x128xf32>
    %swap3A_16 = vector.shape_cast %swap3A_15 : vector<1x1x1000x128xf32> to vector<1000x128xf32>
    %swap3A_17 = vector.shape_cast %dot_general3A_11 : vector<1000x128xf32> to vector<1x1x1000x128xf32>
    tpu.vector_store %arg5[%swap3A, %swap3A_12, %swap3A_13, %swap3A_14], %swap3A_17 {strides = array<i32>} : memref<1x4x1000x128xf32, #tpu.memory_space<vmem>>, vector<1x1x1000x128xf32>,
    %get3A_18 = arith.constant 1 : index
    %get3A_19 = arith.constant 0 : index
    %get3A_20 = arith.constant 0 : index
    %get3A_21 = vector.load %arg3[%get3A_18, %get3A_19, %get3A_20] : memref<4x128x128xf32, #tpu.memory_space<vmem>>, vector<1x128x128xf32>
    %get3A_22 = vector.shape_cast %get3A_21 : vector<1x128x128xf32> to vector<128x128xf32>
    %dot_general3A_23 = arith.constant dense<0.000000e+00> : vector<1000x128xf32>
    %dot_general3A_24 = tpu.matmul %max3A_5, %get3A_22, %dot_general3A_23 {dimension_numbers = #tpu.dot_dimension_numbers<[1], [0], [0], [1], [0, 0, 1, 1], [], []>, transpose_lhs_hint = false} : vector<1000x128xf32>, vector<128x128xf32>, vector<1000x128xf32> -> vector<1000x128xf32>
    %swap3A_25 = arith.constant 0 : index
    %swap3A_26 = arith.constant 1 : index
    %swap3A_27 = arith.constant 0 : index
    %swap3A_28 = arith.constant 0 : index
    %swap3A_29 = vector.load %arg5[%swap3A_25, %swap3A_26, %swap3A_27, %swap3A_28] : memref<1x4x1000x128xf32, #tpu.memory_space<vmem>>, vector<1x1x1000x128xf32>
    %swap3A_30 = vector.shape_cast %swap3A_29 : vector<1x1x1000x128xf32> to vector<1000x128xf32>
    %swap3A_31 = vector.shape_cast %dot_general3A_24 : vector<1000x128xf32> to vector<1x1x1000x128xf32>
    tpu.vector_store %arg5[%swap3A_25, %swap3A_26, %swap3A_27, %swap3A_28], %swap3A_31 {strides = array<i32>} : memref<1x4x1000x128xf32, #tpu.memory_space<vmem>>, vector<1x1x1000x128xf32>,
    %get3A_32 = arith.constant 2 : index
    %get3A_33 = arith.constant 0 : index
    %get3A_34 = arith.constant 0 : index
    %get3A_35 = vector.load %arg3[%get3A_32, %get3A_33, %get3A_34] : memref<4x128x128xf32, #tpu.memory_space<vmem>>, vector<1x128x128xf32>
    %get3A_36 = vector.shape_cast %get3A_35 : vector<1x128x128xf32> to vector<128x128xf32>
    %dot_general3A_37 = arith.constant dense<0.000000e+00> : vector<1000x128xf32>
    %dot_general3A_38 = tpu.matmul %max3A_5, %get3A_36, %dot_general3A_37 {dimension_numbers = #tpu.dot_dimension_numbers<[1], [0], [0], [1], [0, 0, 1, 1], [], []>, transpose_lhs_hint = false} : vector<1000x128xf32>, vector<128x128xf32>, vector<1000x128xf32> -> vector<1000x128xf32>
    %swap3A_39 = arith.constant 0 : index
    %swap3A_40 = arith.constant 2 : index
    %swap3A_41 = arith.constant 0 : index
    %swap3A_42 = arith.constant 0 : index
    %swap3A_43 = vector.load %arg5[%swap3A_39, %swap3A_40, %swap3A_41, %swap3A_42] : memref<1x4x1000x128xf32, #tpu.memory_space<vmem>>, vector<1x1x1000x128xf32>
    %swap3A_44 = vector.shape_cast %swap3A_43 : vector<1x1x1000x128xf32> to vector<1000x128xf32>
    %swap3A_45 = vector.shape_cast %dot_general3A_38 : vector<1000x128xf32> to vector<1x1x1000x128xf32>
    tpu.vector_store %arg5[%swap3A_39, %swap3A_40, %swap3A_41, %swap3A_42], %swap3A_45 {strides = array<i32>} : memref<1x4x1000x128xf32, #tpu.memory_space<vmem>>, vector<1x1x1000x128xf32>,
    %get3A_46 = arith.constant 3 : index
    %get3A_47 = arith.constant 0 : index
    %get3A_48 = arith.constant 0 : index
    %get3A_49 = vector.load %arg3[%get3A_46, %get3A_47, %get3A_48] : memref<4x128x128xf32, #tpu.memory_space<vmem>>, vector<1x128x128xf32>
    %get3A_50 = vector.shape_cast %get3A_49 : vector<1x128x128xf32> to vector<128x128xf32>
    %dot_general3A_51 = arith.constant dense<0.000000e+00> : vector<1000x128xf32>
    %dot_general3A_52 = tpu.matmul %max3A_5, %get3A_50, %dot_general3A_51 {dimension_numbers = #tpu.dot_dimension_numbers<[1], [0], [0], [1], [0, 0, 1, 1], [], []>, transpose_lhs_hint = false} : vector<1000x128xf32>, vector<128x128xf32>, vector<1000x128xf32> -> vector<1000x128xf32>
    %swap3A_53 = arith.constant 0 : index
    %swap3A_54 = arith.constant 3 : index
    %swap3A_55 = arith.constant 0 : index
    %swap3A_56 = arith.constant 0 : index
    %swap3A_57 = vector.load %arg5[%swap3A_53, %swap3A_54, %swap3A_55, %swap3A_56] : memref<1x4x1000x128xf32, #tpu.memory_space<vmem>>, vector<1x1x1000x128xf32>
    %swap3A_58 = vector.shape_cast %swap3A_57 : vector<1x1x1000x128xf32> to vector<1000x128xf32>
    %swap3A_59 = vector.shape_cast %dot_general3A_52 : vector<1000x128xf32> to vector<1x1x1000x128xf32>
    tpu.vector_store %arg5[%swap3A_53, %swap3A_54, %swap3A_55, %swap3A_56], %swap3A_59 {strides = array<i32>} : memref<1x4x1000x128xf32, #tpu.memory_space<vmem>>, vector<1x1x1000x128xf32>,
    %get3A_60 = arith.constant 0 : index
    %get3A_61 = arith.constant 0 : index
    %get3A_62 = vector.load %arg4[%get3A_60, %get3A_61] : memref<128x128xf32, #tpu.memory_space<vmem>>, vector<128x128xf32>
    %dot_general3A_63 = arith.constant dense<0.000000e+00> : vector<1000x128xf32>
    %dot_general3A_64 = tpu.matmul %max3A_5, %get3A_62, %dot_general3A_63 {dimension_numbers = #tpu.dot_dimension_numbers<[1], [0], [0], [1], [0, 0, 1, 1], [], []>, transpose_lhs_hint = false} : vector<1000x128xf32>, vector<128x128xf32>, vector<1000x128xf32> -> vector<1000x128xf32>
    %swap3A_65 = arith.constant 0 : index
    %swap3A_66 = arith.constant 0 : index
    %swap3A_67 = arith.constant 0 : index
    %swap3A_68 = vector.load %arg6[%swap3A_65, %swap3A_66, %swap3A_67] : memref<1x1000x128xf32, #tpu.memory_space<vmem>>, vector<1x1000x128xf32>
    %swap3A_69 = vector.shape_cast %swap3A_68 : vector<1x1000x128xf32> to vector<1000x128xf32>
    %swap3A_70 = vector.shape_cast %dot_general3A_64 : vector<1000x128xf32> to vector<1x1000x128xf32>
    tpu.vector_store %arg6[%swap3A_65, %swap3A_66, %swap3A_67], %swap3A_70 {strides = array<i32>} : memref<1x1000x128xf32, #tpu.memory_space<vmem>>, vector<1x1000x128xf32>,
    return
  }
  func.func @transform_0(%arg0: i32, %arg1: i32) -> (i32, i32, i32) {
    %c0_i32 = arith.constant 0 : i32
    %c0_i32_0 = arith.constant 0 : i32
    return %arg0, %arg1, %c0_i32 : i32, i32, i32
  }
  func.func @transform_1(%arg0: i32, %arg1: i32) -> (i32, i32, i32) {
    %c0_i32 = arith.constant 0 : i32
    %c0_i32_0 = arith.constant 0 : i32
    %c0_i32_1 = arith.constant 0 : i32
    %c0_i32_2 = arith.constant 0 : i32
    return %c0_i32, %c0_i32_0, %c0_i32_1 : i32, i32, i32
  }
  func.func @transform_2(%arg0: i32, %arg1: i32) -> (i32, i32) {
    %c0_i32 = arith.constant 0 : i32
    %c0_i32_0 = arith.constant 0 : i32
    %c0_i32_1 = arith.constant 0 : i32
    return %c0_i32, %c0_i32_0 : i32, i32
  }
  func.func @transform_3(%arg0: i32, %arg1: i32) -> (i32, i32, i32, i32) {
    %c0_i32 = arith.constant 0 : i32
    %c0_i32_0 = arith.constant 0 : i32
    %c0_i32_1 = arith.constant 0 : i32
    return %arg0, %c0_i32, %arg1, %c0_i32_0 : i32, i32, i32, i32
  }
  func.func @transform_4(%arg0: i32, %arg1: i32) -> (i32, i32, i32) {
    %c0_i32 = arith.constant 0 : i32
    %c0_i32_0 = arith.constant 0 : i32
    return %arg0, %arg1, %c0_i32 : i32, i32, i32
  }
}

module attributes {stable_mosaic.version = 14 : i64} {
  func.func @_pool_body(%arg0: i32, %arg1: memref<2x2000x128xf32, #tpu.memory_space<vmem>>, %arg2: memref<2x1x1x2000xi32, #tpu.memory_space<vmem>>, %arg3: memref<64x512xf32, #tpu.memory_space<vmem>>, %arg4: memref<2x64x128xf32, #tpu.memory_space<vmem>>, %arg5: memref<2x64x1xf32, #tpu.memory_space<vmem>>) attributes {dimension_semantics = [#tpu.dimension_semantics<arbitrary>], iteration_bounds = array<i64: 5>, scalar_prefetch = 0 : i64, scratch_operands = 2 : i64, tpu.core_type = #tpu.core_type<tc>, window_params = [{transform_indices = @transform_0, window_bounds = array<i64: 2, 2000, 128>}, {transform_indices = @transform_1, window_bounds = array<i64: 2, 1, 1, 2000>}, {pipeline_mode = #tpu.pipeline_mode<synchronous>, transform_indices = @transform_2, window_bounds = array<i64: 64, 512>}]} {
    %eq3A = arith.constant 0 : i32
    %eq3A_0 = arith.cmpi eq, %arg0, %eq3A : i32
    %convert_element_type3A = arith.extui %eq3A_0 : i1 to i32
    %cond3A = arith.constant 0 : i32
    %cond3A_1 = arith.cmpi ne, %convert_element_type3A, %cond3A : i32
    scf.if %cond3A_1 {
      %broadcast_in_dim3A_97 = arith.constant 0.000000e+00 : f32
      %broadcast_in_dim3A_98 = vector.broadcast %broadcast_in_dim3A_97 : f32 to vector<2x64x128xf32>
      %swap3A_99 = arith.constant 0 : index
      %swap3A_100 = arith.constant 0 : index
      %swap3A_101 = arith.constant 0 : index
      %swap3A_102 = vector.load %arg4[%swap3A_99, %swap3A_100, %swap3A_101] : memref<2x64x128xf32, #tpu.memory_space<vmem>>, vector<2x64x128xf32>
      tpu.vector_store %arg4[%swap3A_99, %swap3A_100, %swap3A_101], %broadcast_in_dim3A_98 {strides = array<i32>} : memref<2x64x128xf32, #tpu.memory_space<vmem>>, vector<2x64x128xf32>,
      %broadcast_in_dim3A_103 = arith.constant 0.000000e+00 : f32
      %broadcast_in_dim3A_104 = vector.broadcast %broadcast_in_dim3A_103 : f32 to vector<2x64x1xf32>
      %swap3A_105 = arith.constant 0 : index
      %swap3A_106 = arith.constant 0 : index
      %swap3A_107 = arith.constant 0 : index
      %swap3A_108 = vector.load %arg5[%swap3A_105, %swap3A_106, %swap3A_107] : memref<2x64x1xf32, #tpu.memory_space<vmem>>, vector<2x64x1xf32>
      tpu.vector_store %arg5[%swap3A_105, %swap3A_106, %swap3A_107], %broadcast_in_dim3A_104 {strides = array<i32>} : memref<2x64x1xf32, #tpu.memory_space<vmem>>, vector<2x64x1xf32>,
    } else {
    }
    %get3A = arith.constant 0 : index
    %get3A_2 = arith.constant 0 : index
    %get3A_3 = arith.constant 0 : index
    %get3A_4 = vector.load %arg1[%get3A, %get3A_2, %get3A_3] : memref<2x2000x128xf32, #tpu.memory_space<vmem>>, vector<1x2000x128xf32>
    %get3A_5 = vector.shape_cast %get3A_4 : vector<1x2000x128xf32> to vector<2000x128xf32>
    %max3A = arith.constant 0.000000e+00 : f32
    %max3A_6 = vector.broadcast %max3A : f32 to vector<2000x128xf32>
    %max3A_7 = arith.maximumf %get3A_5, %max3A_6 : vector<2000x128xf32>
    %get3A_8 = arith.constant 0 : index
    %get3A_9 = arith.constant 0 : index
    %get3A_10 = arith.constant 0 : index
    %get3A_11 = arith.constant 0 : index
    %get3A_12 = vector.load %arg2[%get3A_8, %get3A_9, %get3A_10, %get3A_11] : memref<2x1x1x2000xi32, #tpu.memory_space<vmem>>, vector<1x1x1x2000xi32>
    %get3A_13 = vector.shape_cast %get3A_12 : vector<1x1x1x2000xi32> to vector<2000xi32>
    %broadcast_in_dim3A = vector.shape_cast %get3A_13 : vector<2000xi32> to vector<1x2000xi32>
    %iota3A = tpu.iota {dimensions = array<i32: 0>} : vector<64x2000xi32>
    %eq3A_14 = vector.broadcast %broadcast_in_dim3A : vector<1x2000xi32> to vector<64x2000xi32>
    %eq3A_15 = arith.cmpi eq, %eq3A_14, %iota3A : vector<64x2000xi32>
    %convert_element_type3A_16 = arith.extui %eq3A_15 : vector<64x2000xi1> to vector<64x2000xi32>
    %convert_element_type3A_17 = arith.sitofp %convert_element_type3A_16 : vector<64x2000xi32> to vector<64x2000xf32>
    %get3A_18 = arith.constant 0 : index
    %get3A_19 = arith.constant 0 : index
    %get3A_20 = arith.constant 0 : index
    %get3A_21 = vector.load %arg4[%get3A_18, %get3A_19, %get3A_20] : memref<2x64x128xf32, #tpu.memory_space<vmem>>, vector<1x64x128xf32>
    %get3A_22 = vector.shape_cast %get3A_21 : vector<1x64x128xf32> to vector<64x128xf32>
    %dot_general3A = arith.constant dense<0.000000e+00> : vector<64x128xf32>
    %dot_general3A_23 = tpu.matmul %convert_element_type3A_17, %max3A_7, %dot_general3A {dimension_numbers = #tpu.dot_dimension_numbers<[1], [0], [0], [1], [0, 0, 1, 1], [], []>, transpose_lhs_hint = false} : vector<64x2000xf32>, vector<2000x128xf32>, vector<64x128xf32> -> vector<64x128xf32>
    %add3A = arith.addf %get3A_22, %dot_general3A_23 : vector<64x128xf32>
    %swap3A = arith.constant 0 : index
    %swap3A_24 = arith.constant 0 : index
    %swap3A_25 = arith.constant 0 : index
    %swap3A_26 = vector.load %arg4[%swap3A, %swap3A_24, %swap3A_25] : memref<2x64x128xf32, #tpu.memory_space<vmem>>, vector<1x64x128xf32>
    %swap3A_27 = vector.shape_cast %swap3A_26 : vector<1x64x128xf32> to vector<64x128xf32>
    %swap3A_28 = vector.shape_cast %add3A : vector<64x128xf32> to vector<1x64x128xf32>
    tpu.vector_store %arg4[%swap3A, %swap3A_24, %swap3A_25], %swap3A_28 {strides = array<i32>} : memref<2x64x128xf32, #tpu.memory_space<vmem>>, vector<1x64x128xf32>,
    %get3A_29 = arith.constant 0 : index
    %get3A_30 = arith.constant 0 : index
    %get3A_31 = arith.constant 0 : index
    %get3A_32 = vector.load %arg5[%get3A_29, %get3A_30, %get3A_31] : memref<2x64x1xf32, #tpu.memory_space<vmem>>, vector<1x64x1xf32>
    %get3A_33 = vector.shape_cast %get3A_32 : vector<1x64x1xf32> to vector<64x1xf32>
    %reduce_sum3A = arith.constant dense<0.000000e+00> : vector<64xf32>
    %reduce_sum3A_34 = vector.multi_reduction <add>, %convert_element_type3A_17, %reduce_sum3A [1] : vector<64x2000xf32> to vector<64xf32>
    %broadcast_in_dim3A_35 = vector.shape_cast %reduce_sum3A_34 : vector<64xf32> to vector<64x1xf32>
    %add3A_36 = arith.addf %get3A_33, %broadcast_in_dim3A_35 : vector<64x1xf32>
    %swap3A_37 = arith.constant 0 : index
    %swap3A_38 = arith.constant 0 : index
    %swap3A_39 = arith.constant 0 : index
    %swap3A_40 = vector.load %arg5[%swap3A_37, %swap3A_38, %swap3A_39] : memref<2x64x1xf32, #tpu.memory_space<vmem>>, vector<1x64x1xf32>
    %swap3A_41 = vector.shape_cast %swap3A_40 : vector<1x64x1xf32> to vector<64x1xf32>
    %swap3A_42 = vector.shape_cast %add3A_36 : vector<64x1xf32> to vector<1x64x1xf32>
    tpu.vector_store %arg5[%swap3A_37, %swap3A_38, %swap3A_39], %swap3A_42 {strides = array<i32>} : memref<2x64x1xf32, #tpu.memory_space<vmem>>, vector<1x64x1xf32>,
    %get3A_43 = arith.constant 1 : index
    %get3A_44 = arith.constant 0 : index
    %get3A_45 = arith.constant 0 : index
    %get3A_46 = vector.load %arg1[%get3A_43, %get3A_44, %get3A_45] : memref<2x2000x128xf32, #tpu.memory_space<vmem>>, vector<1x2000x128xf32>
    %get3A_47 = vector.shape_cast %get3A_46 : vector<1x2000x128xf32> to vector<2000x128xf32>
    %max3A_48 = arith.constant 0.000000e+00 : f32
    %max3A_49 = vector.broadcast %max3A_48 : f32 to vector<2000x128xf32>
    %max3A_50 = arith.maximumf %get3A_47, %max3A_49 : vector<2000x128xf32>
    %get3A_51 = arith.constant 1 : index
    %get3A_52 = arith.constant 0 : index
    %get3A_53 = arith.constant 0 : index
    %get3A_54 = arith.constant 0 : index
    %get3A_55 = vector.load %arg2[%get3A_51, %get3A_52, %get3A_53, %get3A_54] : memref<2x1x1x2000xi32, #tpu.memory_space<vmem>>, vector<1x1x1x2000xi32>
    %get3A_56 = vector.shape_cast %get3A_55 : vector<1x1x1x2000xi32> to vector<2000xi32>
    %broadcast_in_dim3A_57 = vector.shape_cast %get3A_56 : vector<2000xi32> to vector<1x2000xi32>
    %iota3A_58 = tpu.iota {dimensions = array<i32: 0>} : vector<64x2000xi32>
    %eq3A_59 = vector.broadcast %broadcast_in_dim3A_57 : vector<1x2000xi32> to vector<64x2000xi32>
    %eq3A_60 = arith.cmpi eq, %eq3A_59, %iota3A_58 : vector<64x2000xi32>
    %convert_element_type3A_61 = arith.extui %eq3A_60 : vector<64x2000xi1> to vector<64x2000xi32>
    %convert_element_type3A_62 = arith.sitofp %convert_element_type3A_61 : vector<64x2000xi32> to vector<64x2000xf32>
    %get3A_63 = arith.constant 1 : index
    %get3A_64 = arith.constant 0 : index
    %get3A_65 = arith.constant 0 : index
    %get3A_66 = vector.load %arg4[%get3A_63, %get3A_64, %get3A_65] : memref<2x64x128xf32, #tpu.memory_space<vmem>>, vector<1x64x128xf32>
    %get3A_67 = vector.shape_cast %get3A_66 : vector<1x64x128xf32> to vector<64x128xf32>
    %dot_general3A_68 = arith.constant dense<0.000000e+00> : vector<64x128xf32>
    %dot_general3A_69 = tpu.matmul %convert_element_type3A_62, %max3A_50, %dot_general3A_68 {dimension_numbers = #tpu.dot_dimension_numbers<[1], [0], [0], [1], [0, 0, 1, 1], [], []>, transpose_lhs_hint = false} : vector<64x2000xf32>, vector<2000x128xf32>, vector<64x128xf32> -> vector<64x128xf32>
    %add3A_70 = arith.addf %get3A_67, %dot_general3A_69 : vector<64x128xf32>
    %swap3A_71 = arith.constant 1 : index
    %swap3A_72 = arith.constant 0 : index
    %swap3A_73 = arith.constant 0 : index
    %swap3A_74 = vector.load %arg4[%swap3A_71, %swap3A_72, %swap3A_73] : memref<2x64x128xf32, #tpu.memory_space<vmem>>, vector<1x64x128xf32>
    %swap3A_75 = vector.shape_cast %swap3A_74 : vector<1x64x128xf32> to vector<64x128xf32>
    %swap3A_76 = vector.shape_cast %add3A_70 : vector<64x128xf32> to vector<1x64x128xf32>
    tpu.vector_store %arg4[%swap3A_71, %swap3A_72, %swap3A_73], %swap3A_76 {strides = array<i32>} : memref<2x64x128xf32, #tpu.memory_space<vmem>>, vector<1x64x128xf32>,
    %get3A_77 = arith.constant 1 : index
    %get3A_78 = arith.constant 0 : index
    %get3A_79 = arith.constant 0 : index
    %get3A_80 = vector.load %arg5[%get3A_77, %get3A_78, %get3A_79] : memref<2x64x1xf32, #tpu.memory_space<vmem>>, vector<1x64x1xf32>
    %get3A_81 = vector.shape_cast %get3A_80 : vector<1x64x1xf32> to vector<64x1xf32>
    %reduce_sum3A_82 = arith.constant dense<0.000000e+00> : vector<64xf32>
    %reduce_sum3A_83 = vector.multi_reduction <add>, %convert_element_type3A_62, %reduce_sum3A_82 [1] : vector<64x2000xf32> to vector<64xf32>
    %broadcast_in_dim3A_84 = vector.shape_cast %reduce_sum3A_83 : vector<64xf32> to vector<64x1xf32>
    %add3A_85 = arith.addf %get3A_81, %broadcast_in_dim3A_84 : vector<64x1xf32>
    %swap3A_86 = arith.constant 1 : index
    %swap3A_87 = arith.constant 0 : index
    %swap3A_88 = arith.constant 0 : index
    %swap3A_89 = vector.load %arg5[%swap3A_86, %swap3A_87, %swap3A_88] : memref<2x64x1xf32, #tpu.memory_space<vmem>>, vector<1x64x1xf32>
    %swap3A_90 = vector.shape_cast %swap3A_89 : vector<1x64x1xf32> to vector<64x1xf32>
    %swap3A_91 = vector.shape_cast %add3A_85 : vector<64x1xf32> to vector<1x64x1xf32>
    tpu.vector_store %arg5[%swap3A_86, %swap3A_87, %swap3A_88], %swap3A_91 {strides = array<i32>} : memref<2x64x1xf32, #tpu.memory_space<vmem>>, vector<1x64x1xf32>,
    %eq3A_92 = arith.constant 4 : i32
    %eq3A_93 = arith.cmpi eq, %arg0, %eq3A_92 : i32
    %convert_element_type3A_94 = arith.extui %eq3A_93 : i1 to i32
    %cond3A_95 = arith.constant 0 : i32
    %cond3A_96 = arith.cmpi ne, %convert_element_type3A_94, %cond3A_95 : i32
    scf.if %cond3A_96 {
      %get3A_97 = arith.constant 0 : index
      %get3A_98 = arith.constant 0 : index
      %get3A_99 = arith.constant 0 : index
      %get3A_100 = vector.load %arg4[%get3A_97, %get3A_98, %get3A_99] : memref<2x64x128xf32, #tpu.memory_space<vmem>>, vector<1x64x128xf32>
      %get3A_101 = vector.shape_cast %get3A_100 : vector<1x64x128xf32> to vector<64x128xf32>
      %get3A_102 = arith.constant 0 : index
      %get3A_103 = arith.constant 0 : index
      %get3A_104 = arith.constant 0 : index
      %get3A_105 = vector.load %arg5[%get3A_102, %get3A_103, %get3A_104] : memref<2x64x1xf32, #tpu.memory_space<vmem>>, vector<1x64x1xf32>
      %get3A_106 = vector.shape_cast %get3A_105 : vector<1x64x1xf32> to vector<64x1xf32>
      %max3A_107 = arith.constant 1.000000e+00 : f32
      %max3A_108 = vector.broadcast %max3A_107 : f32 to vector<64x1xf32>
      %max3A_109 = arith.maximumf %get3A_106, %max3A_108 : vector<64x1xf32>
      %div3A = vector.broadcast %max3A_109 : vector<64x1xf32> to vector<64x128xf32>
      %div3A_110 = arith.divf %get3A_101, %div3A : vector<64x128xf32>
      %get3A_111 = arith.constant 1 : index
      %get3A_112 = arith.constant 0 : index
      %get3A_113 = arith.constant 0 : index
      %get3A_114 = vector.load %arg4[%get3A_111, %get3A_112, %get3A_113] : memref<2x64x128xf32, #tpu.memory_space<vmem>>, vector<1x64x128xf32>
      %get3A_115 = vector.shape_cast %get3A_114 : vector<1x64x128xf32> to vector<64x128xf32>
      %get3A_116 = arith.constant 1 : index
      %get3A_117 = arith.constant 0 : index
      %get3A_118 = arith.constant 0 : index
      %get3A_119 = vector.load %arg5[%get3A_116, %get3A_117, %get3A_118] : memref<2x64x1xf32, #tpu.memory_space<vmem>>, vector<1x64x1xf32>
      %get3A_120 = vector.shape_cast %get3A_119 : vector<1x64x1xf32> to vector<64x1xf32>
      %max3A_121 = arith.constant 1.000000e+00 : f32
      %max3A_122 = vector.broadcast %max3A_121 : f32 to vector<64x1xf32>
      %max3A_123 = arith.maximumf %get3A_120, %max3A_122 : vector<64x1xf32>
      %div3A_124 = vector.broadcast %max3A_123 : vector<64x1xf32> to vector<64x128xf32>
      %div3A_125 = arith.divf %get3A_115, %div3A_124 : vector<64x128xf32>
      %swap3A_126 = arith.constant 0 : index
      %swap3A_127 = arith.constant 0 : index
      %swap3A_128 = vector.load %arg3[%swap3A_126, %swap3A_127] : memref<64x512xf32, #tpu.memory_space<vmem>>, vector<64x128xf32>
      tpu.vector_store %arg3[%swap3A_126, %swap3A_127], %div3A_110 {strides = array<i32>} : memref<64x512xf32, #tpu.memory_space<vmem>>, vector<64x128xf32>,
      %swap3A_129 = arith.constant 0 : index
      %swap3A_130 = arith.constant 128 : index
      %swap3A_131 = vector.load %arg3[%swap3A_129, %swap3A_130] : memref<64x512xf32, #tpu.memory_space<vmem>>, vector<64x128xf32>
      tpu.vector_store %arg3[%swap3A_129, %swap3A_130], %div3A_125 {strides = array<i32>} : memref<64x512xf32, #tpu.memory_space<vmem>>, vector<64x128xf32>,
      %sub3A = arith.subf %div3A_110, %div3A_125 : vector<64x128xf32>
      %swap3A_132 = arith.constant 0 : index
      %swap3A_133 = arith.constant 256 : index
      %swap3A_134 = vector.load %arg3[%swap3A_132, %swap3A_133] : memref<64x512xf32, #tpu.memory_space<vmem>>, vector<64x128xf32>
      tpu.vector_store %arg3[%swap3A_132, %swap3A_133], %sub3A {strides = array<i32>} : memref<64x512xf32, #tpu.memory_space<vmem>>, vector<64x128xf32>,
      %mul3A = arith.mulf %div3A_110, %div3A_125 : vector<64x128xf32>
      %swap3A_135 = arith.constant 0 : index
      %swap3A_136 = arith.constant 384 : index
      %swap3A_137 = vector.load %arg3[%swap3A_135, %swap3A_136] : memref<64x512xf32, #tpu.memory_space<vmem>>, vector<64x128xf32>
      tpu.vector_store %arg3[%swap3A_135, %swap3A_136], %mul3A {strides = array<i32>} : memref<64x512xf32, #tpu.memory_space<vmem>>, vector<64x128xf32>,
    } else {
    }
    return
  }
  func.func @transform_0(%arg0: i32) -> (i32, i32, i32) {
    %c0_i32 = arith.constant 0 : i32
    %c0_i32_0 = arith.constant 0 : i32
    %c0_i32_1 = arith.constant 0 : i32
    return %c0_i32, %arg0, %c0_i32_0 : i32, i32, i32
  }
  func.func @transform_1(%arg0: i32) -> (i32, i32, i32, i32) {
    %c0_i32 = arith.constant 0 : i32
    %c0_i32_0 = arith.constant 0 : i32
    %c0_i32_1 = arith.constant 0 : i32
    %c0_i32_2 = arith.constant 0 : i32
    return %c0_i32, %arg0, %c0_i32_0, %c0_i32_1 : i32, i32, i32, i32
  }
  func.func @transform_2(%arg0: i32) -> (i32, i32) {
    %c0_i32 = arith.constant 0 : i32
    %c0_i32_0 = arith.constant 0 : i32
    %c0_i32_1 = arith.constant 0 : i32
    return %c0_i32, %c0_i32_0 : i32, i32
  }
}

</mosaic_0001>

<sc_bundles>
// kernel: kernel.10.cloned.1.call-start
scs
__scs_entry_jumppad:
0x0: {  	(pc) =	sbr.rel $0x88, $3  }
0x1: {  	(tag) =	ssettag $0x0;
	lr =	simm.s32 $0x1  }
0x2: {  	[smem:$0x3F97] =	sst lr;
	_ =	strace $0xD0000000  }
0x3: {  	_ = 	snop  }
0x4: {  	_ = 	snop  }
0x5: {  	_ = 	snop  }
0x6: {  	_ = 	snop  }
0x7: {  	_ = 	snop  }
__scs_overlays_trampoline_lowered:
0x8: {  	[smem:$0x3FA6] =	sst s0  }
0x9: {  	[smem:$0x3FA7] =	sst s1  }
0xa: {  	[smem:$0x3FA8] =	sst s2  }
0xb: {  	[smem:$0x3FA9] =	sst s3  }
0xc: {  	[smem:$0x3FAA] =	sst s4  }
0xd: {  	[smem:$0x3FAB] =	sst s5  }
0xe: {  	[smem:$0x3FAC] =	sst s6  }
0xf: {  	[smem:$0x3FAD] =	sst s7  }
0x10: {  	[smem:$0x3FAE] =	sst s8  }
0x11: {  	[smem:$0x3FAF] =	sst s9;
	s0 =	simm.s32 @!p0 $0x0  }
0x12: {  	s1 =	sld [smem:$0x3F95];
	s0 =	simm.s32 @p0 $0x1  }
0x13: {  	[smem:$0x3FB0] =	sst s0;
	s0 =	simm.s32 @!p1 $0x0  }
0x14: {  	s2 =	sld [smem:$0x3F94];
	s0 =	simm.s32 @p1 $0x1  }
0x15: {  	[smem:$0x3FB1] =	sst s0;
	s0 =	simm.s32 @!p2 $0x0  }
0x16: {  	s3 =	sld [smem:$0x3FDB];
	s0 =	simm.s32 @p2 $0x1  }
0x17: {  	s4 =	simm.s32 $0x1BF5;
	[smem:$0x3FB3] =	sst s0  }
0x18: {  	s0 =	sld [smem:$0x3F96];
	_ =	swait.ge [sflag:s4], $0x0  }
0x19: {  	s7 =	sld [smem:$0x3F97]  }
0x1a: {  	s8 =	sadd.s32 $0xFFFFE003, lr  }
0x1b: {  	s9 =	sadd.s32 $0xFFFFFEF7, lr;
	s5 =	simm.s32 $0xFFFFFFFF;
	p2 =	slt.u32 s8, $0xFFFFF086  }
0x1c: {  	p1 =	slt.u32 s9, $0xF7A;
	s5 =	simm.s32 @!p2 $0x0  }
0x1d: {  	s5 =	simm.s32 @p1 $0x1;
	p0 =	seq.s32 s7, s2  }
0x1e: {  	s7 =	smul.u32 @!p0 $0xF7A, s2;
	p2 =	seq.s32 @!p0 s5, $0x0  }
0x1f: {  	s9 =	smul.u32 $0xF7A, s1;
	s8 =	simm.s32 @!p0 $0x1BF5;
	p2 =	por !p2, p0  }
0x20: {  	[sflag:s8] =	ssyncset.s32 @!p0 $0xFFFFF086;
	s6 =	sadd.s32 @!p0 s3, s7;
	s7 =	simm.s32 @!p0 $0x108  }
0x21: {  	s3 =	sadd.s32 s3, s9;
	s6 =	sadd.s32 @!p0 $0x88, s6;
	s7 =	simm.s32 @p2 $0x1082  }
0x22: {  	[simem:s7], [sflag:s8] =	dma.local @!p0 [hbm:s6], $0xF7A  }
0x23: {  	s9 =	sor.u32 $0xD0000000, s2;
	s6 =	simm.s32 $0x108;
	_ =	swait.ge @!p0 [sflag:s8], $0x0  }
0x24: {  	s3 =	sadd.s32 $0x88, s3;
	s6 =	simm.s32 @!p1 $0x1082;
	[sflag:s4] =	ssyncset.s32 $0xFFFFF086  }
0x25: {  	[simem:s6], [sflag:s4] =	dma.local [hbm:s3], $0xF7A  }
0x26: {  	[smem:$0x3F97] =	sst s1;
	(tag) =	ssettag s2;
	_ =	strace s9  }
0x27: {  	s1 =	sld [smem:$0x3FA7]  }
0x28: {  	s2 =	sld [smem:$0x3FA8]  }
0x29: {  	s4 =	sld [smem:$0x3FAA]  }
0x2a: {  	p0 =	seq.s32 s5, $0x0;
	s5 =	sld [smem:$0x3FAB]  }
0x2b: {  	s6 =	sld [smem:$0x3FAC]  }
0x2c: {  	s7 =	sld [smem:$0x3FAD]  }
0x2d: {  	s3 =	simm.s32 $0x108;
	s8 =	sld [smem:$0x3FAE]  }
0x2e: {  	s3 =	simm.s32 @!p0 $0x1082;
	s9 =	sld [smem:$0x3FAF]  }
0x2f: {  	lr =	sadd.s32 s0, s3;
	s0 =	sld [smem:$0x3FA6]  }
0x30: {  	s3 =	sld [smem:$0x3FA9]  }
0x31: {  	[smem:$0x3FB2] =	sst s10  }
0x32: {  	s10 =	sld [smem:$0x3FB0];
	_ =	sdelay $0x3  }
0x33: {  	p0 =	seq.s32 s10, $0x1;
	s10 =	sld [smem:$0x3FB2];
	_ =	sdelay $0x3  }
0x34: {  	[smem:$0x3FB2] =	sst s10  }
0x35: {  	s10 =	sld [smem:$0x3FB1];
	_ =	sdelay $0x3  }
0x36: {  	p1 =	seq.s32 s10, $0x1;
	s10 =	sld [smem:$0x3FB2];
	_ =	sdelay $0x3  }
0x37: {  	[smem:$0x3FB2] =	sst s10  }
0x38: {  	s10 =	sld [smem:$0x3FB3]  }
0x39: {  	_ = 	snop;
	(pc) =	sbr.ind lr, $3  }
0x3a: {  	_ = 	snop  }
0x3b: {  	_ = 	snop  }
0x3c: {  	p2 =	seq.s32 s10, $0x1;
	s10 =	sld [smem:$0x3FB2]  }
0x3d: {  	_ =	shalt  }
0x3e: {  	_ =	shalt  }
0x3f: {  	_ =	shalt  }
0x40: {  	_ =	shalt  }
0x41: {  	_ =	shalt  }
0x42: {  	_ =	shalt  }
0x43: {  	_ =	shalt  }
0x44: {  	_ =	shalt  }
0x45: {  	_ =	shalt  }
0x46: {  	_ =	shalt  }
0x47: {  	_ =	shalt  }
0x48: {  	_ =	shalt  }
0x49: {  	_ =	shalt  }
0x4a: {  	_ =	shalt  }
0x4b: {  	_ =	shalt  }
0x4c: {  	_ =	shalt  }
0x4d: {  	_ =	shalt  }
0x4e: {  	_ =	shalt  }
0x4f: {  	_ =	shalt  }
0x50: {  	_ =	shalt  }
0x51: {  	_ =	shalt  }
0x52: {  	_ =	shalt  }
0x53: {  	_ =	shalt  }
0x54: {  	_ =	shalt  }
0x55: {  	_ =	shalt  }
0x56: {  	_ =	shalt  }
0x57: {  	_ =	shalt  }
0x58: {  	_ =	shalt  }
0x59: {  	_ =	shalt  }
0x5a: {  	_ =	shalt  }
0x5b: {  	_ =	shalt  }
0x5c: {  	_ =	shalt  }
0x5d: {  	_ =	shalt  }
0x5e: {  	_ =	shalt  }
0x5f: {  	_ =	shalt  }
0x60: {  	_ =	shalt  }
0x61: {  	_ =	shalt  }
0x62: {  	_ =	shalt  }
0x63: {  	_ =	shalt  }
0x64: {  	_ =	shalt  }
0x65: {  	_ =	shalt  }
0x66: {  	_ =	shalt  }
0x67: {  	_ =	shalt  }
0x68: {  	_ =	shalt  }
0x69: {  	_ =	shalt  }
0x6a: {  	_ =	shalt  }
0x6b: {  	_ =	shalt  }
0x6c: {  	_ =	shalt  }
0x6d: {  	_ =	shalt  }
0x6e: {  	_ =	shalt  }
0x6f: {  	_ =	shalt  }
0x70: {  	_ =	shalt  }
0x71: {  	_ =	shalt  }
0x72: {  	_ =	shalt  }
0x73: {  	_ =	shalt  }
0x74: {  	_ =	shalt  }
0x75: {  	_ =	shalt  }
0x76: {  	_ =	shalt  }
0x77: {  	_ =	shalt  }
0x78: {  	_ =	shalt  }
0x79: {  	_ =	shalt  }
0x7a: {  	_ =	shalt  }
0x7b: {  	_ =	shalt  }
0x7c: {  	_ =	shalt  }
0x7d: {  	_ =	shalt  }
0x7e: {  	_ =	shalt  }
0x7f: {  	_ =	shalt  }
0x80: {  	_ =	shalt  }
0x81: {  	_ =	shalt  }
0x82: {  	_ =	shalt  }
0x83: {  	_ =	shalt  }
0x84: {  	_ =	shalt  }
0x85: {  	_ =	shalt  }
0x86: {  	_ =	shalt  }
0x87: {  	_ =	shalt  }
.Lfunc_end0:
.L_simem_size_0:
called_computation.1_lowered:
.L_overlay_start_0:
0x88: {  	s2 =	sld [smem:$0x3FD9]  }
0x89: {  	s3 =	sld [smem:$0x3FFE];
	_ =	sdelay $0x1  }
0x8a: {  	s1 =	srdreg.scid  }
0x8b: {  	s0 =	sand.u32 $0x1, s1  }
0x8c: {  	s16 =	sshll.u32 s0, $0xA;
	s2 =	sadd.s32 s3, s2  }
0x8d: {  	s2 =	sadd.s32 s2, s16  }
0x8e: {  	[smem:$0x3FBE] =	sst s2  }
0x8f: {  	_ = 	snop  }
0x90: {  	(tm) =	ssettm $0x1  }
0x91: {  	s17 =	sld [smem:$0x3FFB];
	_ =	sdelay $0x3  }
0x92: {  	_ =	strace s17  }
0x93: {  	s2 =	sld [smem:$0x3FFC];
	_ =	sdelay $0x3  }
0x94: {  	_ =	strace s2  }
0x95: {  	s2 =	sld [smem:$0x3FFD];
	_ =	sdelay $0x3  }
0x96: {  	_ =	strace s2  }
0x97: {  	_ =	strace $0x8FFFFFFF  }
0x98: {  	s18 =	sld [smem:$0x3FDB];
	_ =	sdelay $0x1  }
0x99: {  	s19 =	simm.s32 $_scs_section_size  }
0x9a: {  	s4 =	simm.s32 $_size__tile_overlayer_lowered;
	s5 =	simm.s32 $_tile_overlayer_lowered  }
0x9b: {  	s22 =	simm.s32 $0x1BFF;
	s21 =	sshll.u32 s5, $0x1;
	s2 =	sadd.s32 s19, s18  }
0x9c: {  	s6 =	simm.s32 $0x0;
	s20 =	sshll.u32 s4, $0x1;
	s4 =	sadd.s32 s21, s2  }
0x9d: {  	[timem:s6], [sflag:s22] =	dma.local [hbm:s4], s20  }
0x9e: {  	_ =	swait.ge [sflag:s22], s20  }
0x9f: {  	s3 =	ssub.s32 $0x0, s20;
	[sflag:s22] =	ssyncset.done $0x0  }
0xa0: {  	[sflag:s22] =	ssyncadd.s32 s3;
	_ =	sdelay $0x1  }
0xa1: {  	s23 =	simm.s32 $0x1B8B  }
0xa2: {  	_ =	swait.ge [sflag:s23], $0x1  }
0xa3: {  	[sflag:s23] =	ssyncset.done $0x0  }
0xa4: {  	s25 =	simm.s32 $0x1B8E;
	s24 =	sld [smem:$0x3FFE];
	[sflag:s23] =	ssyncadd.s32 $0xFFFFFFFF  }
0xa5: {  	s26 =	simm.s32 $execute0_lowered;
	[smem:$0x3FD2] =	sst s25  }
0xa6: {  	s4 =	sshll.u32 s26, $0x1;
	_ =	strace $0x80000049;
	[dreg:$0x1] =	wrdreg $0xFFFFFFFF  }
0xa7: {  	s28 =	simm.s32 $_size_execute0_lowered;
	s2 =	sadd.s32 s2, s4;
	[dreg:$0x0] =	wrdreg $0x0  }
0xa8: {  	s4 =	sshll.u32 s28, $0x1;
	[dreg:$0x2] =	wrdreg s2  }
0xa9: {  	[dreg:$0x3] =	wrdreg s4  }
0xaa: {  	[dreg:$0x4] =	wrdreg $0xC0  }
0xab: {  	_ =	task [dreg:s6], $0x5FFFF  }
0xac: {  	[dreg:$0x1] =	wrdreg $0xFFFFFFFF  }
0xad: {  	[dreg:$0x0] =	wrdreg $0x60  }
0xae: {  	[dreg:$0x2] =	wrdreg s24  }
0xaf: {  	[dreg:$0x3] =	wrdreg $0x90000  }
0xb0: {  	[dreg:$0x4] =	wrdreg $0x9  }
0xb1: {  	_ =	task.clear_ibuf [dreg:s6], $0x5FFFF;
	_ =	strace $0x90000049  }
0xb2: {  	s29 =	simm.s32 $0x9;
	_ =	strace $0x8000004B  }
0xb3: {  	_ =	swait.ge [sflag:s29], $0x1  }
0xb4: {  	[sflag:s29] =	ssyncadd.s32 $0xFFFFFFFF  }
0xb5: {  	_ =	strace $0x9000004B  }
0xb6: {  	_ =	sfence  }
0xb7: {  	s30 =	sld [smem:$0x0];
	_ =	sdelay $0x2  }
0xb8: {  	s31 =	sshll.u32 s1, $0xD;
	s1 =	sshrl.u32 s1, $0x2  }
0xb9: {  	s3 =	sand.u32 $0x4000, s31;
	s1 =	sadd.s32 s1, s30  }
0xba: {  	s0 =	sor.u32 s3, s0;
	s1 =	sshll.u32 s1, $0x11  }
0xbb: {  	s0 =	sor.u32 s1, s0  }
0xbc: {  	s0 =	sadd.s32 $0x8F2B, s0  }
0xbd: {  	[sflag:s0] =	ssyncadd.remote.s32 $0x1  }
0xbe: {  	_ =	sfence.sel $0xFFFF  }
0xbf: {  	[dreg:$0x0] =	wrdreg $0xFFFFFFFF;
	(pc) =	sbr.abs _section_cstart, $3  }
0xc0: {  	[dreg:$0x1] =	wrdreg $0xFFFFFFFF  }
0xc1: {  	_ =	task.clear_ibuf [dreg:s6], $0x2FFFF;
	_ =	strace $0x9FFFFFFF  }
0xc2: {  	(tm) =	ssettm $0x7FFFFFFF  }
0xc3: {  	_ =	shalt  }
tec
execute0_lowered:
.L_overlay_start_1:
0x0: {  	(tag) =	ssettag $0x1  }
0x1: {  	s0 =	srdreg.scid;
	s1 =	rddreg [dreg:$0x0]  }
0x2: {  	s9 =	stileid.u32;
	s2 =	rddreg [dreg:$0x1];
	s3 =	simm.s32 $0x0  }
0x3: {  	s13 =	simm.s32 $0x880;
	s15 =	simm.s32 $0x100;
	s17 =	simm.s32 $0x180  }
0x4: {  	s18 =	simm.s32 $0x900;
	s19 =	simm.s32 $0x980;
	[smem:$0x7FF] =	sst s3  }
0x5: {  	s20 =	simm.s32 $0x200;
	_ =	strace $0x8000004A;
	[dreg:$0x5] =	wrdreg s13  }
0x6: {  	s21 =	simm.s32 $0x280;
	s10 =	simm.s32 $0x3;
	[dreg:$0x6] =	wrdreg s15  }
0x7: {  	s22 =	simm.s32 $0xA00;
	s11 =	simm.s32 $0x800;
	[dreg:$0x7] =	wrdreg s17  }
0x8: {  	s23 =	simm.s32 $0xA80;
	s24 =	simm.s32 $0x300;
	[dreg:$0x8] =	wrdreg s18  }
0x9: {  	s25 =	simm.s32 $0x380;
	s26 =	simm.s32 $0xB00;
	[dreg:$0x9] =	wrdreg s19  }
0xa: {  	s28 =	simm.s32 $0x680;
	s29 =	simm.s32 $0xE00;
	[dreg:$0xa] =	wrdreg s20  }
0xb: {  	s30 =	simm.s32 $0xE80;
	s31 =	simm.s32 $0x700;
	[dreg:$0xb] =	wrdreg s21  }
0xc: {  	s0 =	sand.u32 $0x1, s0;
	s5 =	smul.u32 $0x278, s9;
	[dreg:$0xc] =	wrdreg s22  }
0xd: {  	s6 =	smul.u32 $0x5000, s9;
	s16 =	sshll.u32 s9, $0x6;
	[dreg:$0xd] =	wrdreg s23  }
0xe: {  	s9 =	simm.s32 $0x0;
	s4 =	smul.u32 $0x50000, s0;
	[dreg:$0xe] =	wrdreg s24  }
0xf: {  	s7 =	smul.u32 $0x138800, s0;
	s0 =	ssub.s32 $0x2, s0;
	[dreg:$0xf] =	wrdreg s25  }
0x10: {  	s13 =	simm.s32 $0x1000;
	s15 =	simm.s32 $0x1;
	[dreg:$0x10] =	wrdreg s26  }
0x11: {  	s17 =	simm.s32 $0xB80;
	s18 =	simm.s32 $0x400;
	s19 =	simm.s32 $0x480  }
0x12: {  	s20 =	simm.s32 $0xC00;
	s21 =	simm.s32 $0xC80;
	s22 =	simm.s32 $0x500  }
0x13: {  	s23 =	simm.s32 $0x580;
	s24 =	simm.s32 $0xD00;
	s25 =	simm.s32 $0xD80  }
0x14: {  	s26 =	simm.s32 $0x600;
	s5 =	smin.u32 s5, $0x2498;
	s12 =	sshrl.u32 s0, $0x1  }
0x15: {  	s6 =	sadd.s32 s6, s4;
	s5 =	sshll.u32 s5, $0x7;
	s4 =	sadd.s32 $0x2A000, s1  }
0x16: {  	s0 =	ssub.s32 s0, s12;
	s12 =	simm.s32 $0x80;
	s6 =	sshrl.u32 s6, $0x3  }
0x17: {  	s7 =	sadd.s32 s7, s5;
	s0 =	smax.u32 s0, $0x1;
	s6 =	sadd.s32 s6, s1  }
0x18: {  	s5 =	sadd.s32 s5, s2;
	[dreg:$0x14] =	wrdreg s0;
	s8 =	sadd.s32 $0x16000, s6  }
0x19: {  	s7 =	sshrl.u32 s7, $0x3;
	s6 =	sadd.s32 $0x2000, s6;
	[dreg:$0x3] =	wrdreg s8  }
0x1a: {  	s1 =	sadd.s32 s7, s1;
	s7 =	sor.u32 $0x1C03, s16;
	[dreg:$0x4] =	wrdreg s6  }
0x1b: {  	s0 =	simm.s32 $0xF00;
	s14 =	sadd.s32 $0x162800, s1;
	[dreg:$0x12] =	wrdreg s7  }
0x1c: {  	s16 =	simm.s32 $0x2;
	s1 =	sadd.s32 $0x1B0A00, s1;
	[dreg:$0x11] =	wrdreg s14  }
0x1d: {  	s8 =	sshrl.u32 s5, $0x3;
	s5 =	simm.s32 $0xF80;
	[dreg:$0x13] =	wrdreg s1  }
0x1e: {  	s14 =	simm.s32 $0x5000;
	s1 =	simm.s32 $0x780;
	[dreg:$0x15] =	wrdreg s8  }
.LBB2_1:
0x1f: {  	[dreg:$0x16] =	wrdreg s9  }
0x20: {  	s6 =	rddreg [dreg:$0x11]  }
0x21: {  	[spmem:s8], [sflag:s7] =	dma.local [hbm:s6], $0x2780  }
0x22: {  	_ =	swait.ge [sflag:s10], $0x2780  }
0x23: {  	[sflag:s10] =	ssyncset.done $0x0  }
0x24: {  	[sflag:s10] =	ssyncadd.s32 $0xFFFFD880  }
0x25: {  	[bflag:$0x0] =	sbarrier.arrive $0xFFFF  }
0x26: {  	s9 =	rddreg [dreg:$0x4]  }
0x27: {  	s6 =	sadd.s32 $0x0, s9  }
0x28: {  	[tilespmem:s3], [sflag:$0x3] =	stream.linear.gather [hbm4b:s6+s3], $0x800, $0x38;
	[tilespmem:$0x1C8C0] =	vst v63  }
0x29: {  	_ =	swait.ge [sflag:s10], $0x800  }
0x2a: {  	s7 =	rddreg [dreg:$0x3];
	[sflag:s10] =	ssyncset.done $0x0  }
0x2b: {  	[sflag:s10] =	ssyncadd.s32 $0xFFFFF800;
	s6 =	sadd.s32 $0x0, s7  }
0x2c: {  	[tilespmem:s11], [sflag:$0x3] =	stream.linear.gather [hbm4b:s6+s3], $0x800, $0x38;
	[tilespmem:$0x1C8C0] =	vst v63  }
0x2d: {  	_ =	swait.ge [sflag:s10], $0x800  }
0x2e: {  	[sflag:s10] =	ssyncset.done $0x0  }
0x2f: {  	[sflag:s10] =	ssyncadd.s32 $0xFFFFF800  }
0x30: {  	[tilespmem:s13], [sflag:$0x1] =	stream.indirect.gather [hbm4b:s4+s12], $0x80, s3, s12, $0xb8;
	[tilespmem:$0x1C8C0] =	vst v63  }
0x31: {  	_ = 	snop  }
0x32: {  	[tilespmem:s14], [sflag:$0x2] =	stream.indirect.gather [hbm4b:s4+s12], $0x80, s12, s12, $0xb8;
	[tilespmem:$0x1C8C0] =	vst v63  }
0x33: {  	_ =	swait.ge [sflag:s15], $0x4000  }
0x34: {  	[sflag:s15] =	ssyncset.done $0x0  }
0x35: {  	[sflag:s15] =	ssyncadd.s32 $0xFFFFC000  }
0x36: {  	[spmem:s2] =	stream.indirect.scatter.add.f32 [tilespmem:s13], [sflag:$0x3], $0x80, s11, s12, $0xb8;
	[tilespmem:$0x1C8C0] =	vst v63  }
0x37: {  	_ =	swait.ge [sflag:s10], $0x4000  }
0x38: {  	[sflag:s10] =	ssyncset.done $0x0  }
0x39: {  	[sflag:s10] =	ssyncadd.s32 $0xFFFFC000  }
0x3a: {  	_ =	swait.ge [sflag:s16], $0x4000  }
0x3b: {  	[sflag:s16] =	ssyncset.done $0x0  }
0x3c: {  	s8 =	rddreg [dreg:$0x5];
	[sflag:s16] =	ssyncadd.s32 $0xFFFFC000  }
0x3d: {  	[spmem:s2] =	stream.indirect.scatter.add.f32 [tilespmem:s14], [sflag:$0x3], $0x80, s8, s12, $0xb8;
	[tilespmem:$0x1C8C0] =	vst v63  }
0x3e: {  	_ =	swait.ge [sflag:s10], $0x4000  }
0x3f: {  	[sflag:s10] =	ssyncset.done $0x0  }
0x40: {  	s9 =	rddreg [dreg:$0x6];
	[sflag:s10] =	ssyncadd.s32 $0xFFFFC000  }
0x41: {  	[tilespmem:s13], [sflag:$0x1] =	stream.indirect.gather [hbm4b:s4+s12], $0x80, s9, s12, $0xb8;
	[tilespmem:$0x1C8C0] =	vst v63  }
0x42: {  	s7 =	rddreg [dreg:$0x7]  }
0x43: {  	[tilespmem:s14], [sflag:$0x2] =	stream.indirect.gather [hbm4b:s4+s12], $0x80, s7, s12, $0xb8;
	[tilespmem:$0x1C8C0] =	vst v63  }
0x44: {  	_ =	swait.ge [sflag:s15], $0x4000  }
0x45: {  	[sflag:s15] =	ssyncset.done $0x0  }
0x46: {  	s9 =	rddreg [dreg:$0x8];
	[sflag:s15] =	ssyncadd.s32 $0xFFFFC000  }
0x47: {  	[spmem:s2] =	stream.indirect.scatter.add.f32 [tilespmem:s13], [sflag:$0x3], $0x80, s9, s12, $0xb8;
	[tilespmem:$0x1C8C0] =	vst v63  }
0x48: {  	_ =	swait.ge [sflag:s10], $0x4000  }
0x49: {  	[sflag:s10] =	ssyncset.done $0x0  }
0x4a: {  	[sflag:s10] =	ssyncadd.s32 $0xFFFFC000  }
0x4b: {  	_ =	swait.ge [sflag:s16], $0x4000  }
0x4c: {  	[sflag:s16] =	ssyncset.done $0x0  }
0x4d: {  	s7 =	rddreg [dreg:$0x9];
	[sflag:s16] =	ssyncadd.s32 $0xFFFFC000  }
0x4e: {  	[spmem:s2] =	stream.indirect.scatter.add.f32 [tilespmem:s14], [sflag:$0x3], $0x80, s7, s12, $0xb8;
	[tilespmem:$0x1C8C0] =	vst v63  }
0x4f: {  	_ =	swait.ge [sflag:s10], $0x4000  }
0x50: {  	[sflag:s10] =	ssyncset.done $0x0  }
0x51: {  	s8 =	rddreg [dreg:$0xa];
	[sflag:s10] =	ssyncadd.s32 $0xFFFFC000  }
0x52: {  	[tilespmem:s13], [sflag:$0x1] =	stream.indirect.gather [hbm4b:s4+s12], $0x80, s8, s12, $0xb8;
	[tilespmem:$0x1C8C0] =	vst v63  }
0x53: {  	s9 =	rddreg [dreg:$0xb]  }
0x54: {  	[tilespmem:s14], [sflag:$0x2] =	stream.indirect.gather [hbm4b:s4+s12], $0x80, s9, s12, $0xb8;
	[tilespmem:$0x1C8C0] =	vst v63  }
0x55: {  	_ =	swait.ge [sflag:s15], $0x4000  }
0x56: {  	[sflag:s15] =	ssyncset.done $0x0  }
0x57: {  	s7 =	rddreg [dreg:$0xc];
	[sflag:s15] =	ssyncadd.s32 $0xFFFFC000  }
0x58: {  	[spmem:s2] =	stream.indirect.scatter.add.f32 [tilespmem:s13], [sflag:$0x3], $0x80, s7, s12, $0xb8;
	[tilespmem:$0x1C8C0] =	vst v63  }
0x59: {  	_ =	swait.ge [sflag:s10], $0x4000  }
0x5a: {  	[sflag:s10] =	ssyncset.done $0x0  }
0x5b: {  	[sflag:s10] =	ssyncadd.s32 $0xFFFFC000  }
0x5c: {  	_ =	swait.ge [sflag:s16], $0x4000  }
0x5d: {  	[sflag:s16] =	ssyncset.done $0x0  }
0x5e: {  	s8 =	rddreg [dreg:$0xd];
	[sflag:s16] =	ssyncadd.s32 $0xFFFFC000  }
0x5f: {  	[spmem:s2] =	stream.indirect.scatter.add.f32 [tilespmem:s14], [sflag:$0x3], $0x80, s8, s12, $0xb8;
	[tilespmem:$0x1C8C0] =	vst v63  }
0x60: {  	_ =	swait.ge [sflag:s10], $0x4000  }
0x61: {  	[sflag:s10] =	ssyncset.done $0x0  }
0x62: {  	s9 =	rddreg [dreg:$0xe];
	[sflag:s10] =	ssyncadd.s32 $0xFFFFC000  }
0x63: {  	[tilespmem:s13], [sflag:$0x1] =	stream.indirect.gather [hbm4b:s4+s12], $0x80, s9, s12, $0xb8;
	[tilespmem:$0x1C8C0] =	vst v63  }
0x64: {  	s7 =	rddreg [dreg:$0xf]  }
0x65: {  	[tilespmem:s14], [sflag:$0x2] =	stream.indirect.gather [hbm4b:s4+s12], $0x80, s7, s12, $0xb8;
	[tilespmem:$0x1C8C0] =	vst v63  }
0x66: {  	_ =	swait.ge [sflag:s15], $0x4000  }
0x67: {  	[sflag:s15] =	ssyncset.done $0x0  }
0x68: {  	s9 =	rddreg [dreg:$0x10];
	[sflag:s15] =	ssyncadd.s32 $0xFFFFC000  }
0x69: {  	[spmem:s2] =	stream.indirect.scatter.add.f32 [tilespmem:s13], [sflag:$0x3], $0x80, s9, s12, $0xb8;
	[tilespmem:$0x1C8C0] =	vst v63  }
0x6a: {  	_ =	swait.ge [sflag:s10], $0x4000  }
0x6b: {  	[sflag:s10] =	ssyncset.done $0x0  }
0x6c: {  	[sflag:s10] =	ssyncadd.s32 $0xFFFFC000  }
0x6d: {  	_ =	swait.ge [sflag:s16], $0x4000  }
0x6e: {  	[sflag:s16] =	ssyncset.done $0x0  }
0x6f: {  	[sflag:s16] =	ssyncadd.s32 $0xFFFFC000  }
0x70: {  	[spmem:s2] =	stream.indirect.scatter.add.f32 [tilespmem:s14], [sflag:$0x3], $0x80, s17, s12, $0xb8;
	[tilespmem:$0x1C8C0] =	vst v63  }
0x71: {  	_ =	swait.ge [sflag:s10], $0x4000  }
0x72: {  	[sflag:s10] =	ssyncset.done $0x0  }
0x73: {  	[sflag:s10] =	ssyncadd.s32 $0xFFFFC000  }
0x74: {  	[tilespmem:s13], [sflag:$0x1] =	stream.indirect.gather [hbm4b:s4+s12], $0x80, s18, s12, $0xb8;
	[tilespmem:$0x1C8C0] =	vst v63  }
0x75: {  	_ = 	snop  }
0x76: {  	[tilespmem:s14], [sflag:$0x2] =	stream.indirect.gather [hbm4b:s4+s12], $0x80, s19, s12, $0xb8;
	[tilespmem:$0x1C8C0] =	vst v63  }
0x77: {  	_ =	swait.ge [sflag:s15], $0x4000  }
0x78: {  	[sflag:s15] =	ssyncset.done $0x0  }
0x79: {  	[sflag:s15] =	ssyncadd.s32 $0xFFFFC000  }
0x7a: {  	[spmem:s2] =	stream.indirect.scatter.add.f32 [tilespmem:s13], [sflag:$0x3], $0x80, s20, s12, $0xb8;
	[tilespmem:$0x1C8C0] =	vst v63  }
0x7b: {  	_ =	swait.ge [sflag:s10], $0x4000  }
0x7c: {  	[sflag:s10] =	ssyncset.done $0x0  }
0x7d: {  	[sflag:s10] =	ssyncadd.s32 $0xFFFFC000  }
0x7e: {  	_ =	swait.ge [sflag:s16], $0x4000  }
0x7f: {  	[sflag:s16] =	ssyncset.done $0x0  }
0x80: {  	[sflag:s16] =	ssyncadd.s32 $0xFFFFC000  }
0x81: {  	[spmem:s2] =	stream.indirect.scatter.add.f32 [tilespmem:s14], [sflag:$0x3], $0x80, s21, s12, $0xb8;
	[tilespmem:$0x1C8C0] =	vst v63  }
0x82: {  	_ =	swait.ge [sflag:s10], $0x4000  }
0x83: {  	[sflag:s10] =	ssyncset.done $0x0  }
0x84: {  	[sflag:s10] =	ssyncadd.s32 $0xFFFFC000  }
0x85: {  	[tilespmem:s13], [sflag:$0x1] =	stream.indirect.gather [hbm4b:s4+s12], $0x80, s22, s12, $0xb8;
	[tilespmem:$0x1C8C0] =	vst v63  }
0x86: {  	_ = 	snop  }
0x87: {  	[tilespmem:s14], [sflag:$0x2] =	stream.indirect.gather [hbm4b:s4+s12], $0x80, s23, s12, $0xb8;
	[tilespmem:$0x1C8C0] =	vst v63  }
0x88: {  	_ =	swait.ge [sflag:s15], $0x4000  }
0x89: {  	[sflag:s15] =	ssyncset.done $0x0  }
0x8a: {  	[sflag:s15] =	ssyncadd.s32 $0xFFFFC000  }
0x8b: {  	[spmem:s2] =	stream.indirect.scatter.add.f32 [tilespmem:s13], [sflag:$0x3], $0x80, s24, s12, $0xb8;
	[tilespmem:$0x1C8C0] =	vst v63  }
0x8c: {  	_ =	swait.ge [sflag:s10], $0x4000  }
0x8d: {  	[sflag:s10] =	ssyncset.done $0x0  }
0x8e: {  	[sflag:s10] =	ssyncadd.s32 $0xFFFFC000  }
0x8f: {  	_ =	swait.ge [sflag:s16], $0x4000  }
0x90: {  	[sflag:s16] =	ssyncset.done $0x0  }
0x91: {  	[sflag:s16] =	ssyncadd.s32 $0xFFFFC000  }
0x92: {  	[spmem:s2] =	stream.indirect.scatter.add.f32 [tilespmem:s14], [sflag:$0x3], $0x80, s25, s12, $0xb8;
	[tilespmem:$0x1C8C0] =	vst v63  }
0x93: {  	_ =	swait.ge [sflag:s10], $0x4000  }
0x94: {  	[sflag:s10] =	ssyncset.done $0x0  }
0x95: {  	[sflag:s10] =	ssyncadd.s32 $0xFFFFC000  }
0x96: {  	[tilespmem:s13], [sflag:$0x1] =	stream.indirect.gather [hbm4b:s4+s12], $0x80, s26, s12, $0xb8;
	[tilespmem:$0x1C8C0] =	vst v63  }
0x97: {  	_ = 	snop  }
0x98: {  	[tilespmem:s14], [sflag:$0x2] =	stream.indirect.gather [hbm4b:s4+s12], $0x80, s28, s12, $0xb8;
	[tilespmem:$0x1C8C0] =	vst v63  }
0x99: {  	_ =	swait.ge [sflag:s15], $0x4000  }
0x9a: {  	[sflag:s15] =	ssyncset.done $0x0  }
0x9b: {  	[sflag:s15] =	ssyncadd.s32 $0xFFFFC000  }
0x9c: {  	[spmem:s2] =	stream.indirect.scatter.add.f32 [tilespmem:s13], [sflag:$0x3], $0x80, s29, s12, $0xb8;
	[tilespmem:$0x1C8C0] =	vst v63  }
0x9d: {  	_ =	swait.ge [sflag:s10], $0x4000  }
0x9e: {  	[sflag:s10] =	ssyncset.done $0x0  }
0x9f: {  	[sflag:s10] =	ssyncadd.s32 $0xFFFFC000  }
0xa0: {  	_ =	swait.ge [sflag:s16], $0x4000  }
0xa1: {  	[sflag:s16] =	ssyncset.done $0x0  }
0xa2: {  	[sflag:s16] =	ssyncadd.s32 $0xFFFFC000  }
0xa3: {  	[spmem:s2] =	stream.indirect.scatter.add.f32 [tilespmem:s14], [sflag:$0x3], $0x80, s30, s12, $0xb8;
	[tilespmem:$0x1C8C0] =	vst v63  }
0xa4: {  	_ =	swait.ge [sflag:s10], $0x4000  }
0xa5: {  	[sflag:s10] =	ssyncset.done $0x0  }
0xa6: {  	[sflag:s10] =	ssyncadd.s32 $0xFFFFC000  }
0xa7: {  	[tilespmem:s13], [sflag:$0x1] =	stream.indirect.gather [hbm4b:s4+s12], $0x80, s31, s12, $0xb8;
	[tilespmem:$0x1C8C0] =	vst v63  }
0xa8: {  	_ = 	snop  }
0xa9: {  	[tilespmem:s14], [sflag:$0x2] =	stream.indirect.gather [hbm4b:s4+s12], $0x80, s1, s12, $0xb8;
	[tilespmem:$0x1C8C0] =	vst v63  }
0xaa: {  	_ =	swait.ge [sflag:s15], $0x4000  }
0xab: {  	[sflag:s15] =	ssyncset.done $0x0  }
0xac: {  	[sflag:s15] =	ssyncadd.s32 $0xFFFFC000  }
0xad: {  	[spmem:s2] =	stream.indirect.scatter.add.f32 [tilespmem:s13], [sflag:$0x3], $0x80, s0, s12, $0xb8;
	[tilespmem:$0x1C8C0] =	vst v63  }
0xae: {  	_ =	swait.ge [sflag:s10], $0x4000  }
0xaf: {  	[sflag:s10] =	ssyncset.done $0x0  }
0xb0: {  	[sflag:s10] =	ssyncadd.s32 $0xFFFFC000  }
0xb1: {  	_ =	swait.ge [sflag:s16], $0x4000  }
0xb2: {  	[sflag:s16] =	ssyncset.done $0x0  }
0xb3: {  	[sflag:s16] =	ssyncadd.s32 $0xFFFFC000  }
0xb4: {  	[spmem:s2] =	stream.indirect.scatter.add.f32 [tilespmem:s14], [sflag:$0x3], $0x80, s5, s12, $0xb8;
	[tilespmem:$0x1C8C0] =	vst v63  }
0xb5: {  	s6 =	simm.s32 $0x200;
	_ =	swait.ge [sflag:s10], $0x4000  }
0xb6: {  	s8 =	simm.s32 $0x100;
	s9 =	rddreg [dreg:$0x4];
	[sflag:s10] =	ssyncset.done $0x0  }
.LBB2_2:
0xb7: {  	[sflag:s10] =	ssyncadd.s32 $0xFFFFC000;
	s9 =	sadd.s32 s8, s9  }
0xb8: {  	[tilespmem:s3], [sflag:$0x3] =	stream.linear.gather [hbm4b:s9+s3], $0x800, $0x38;
	[tilespmem:$0x1C8C0] =	vst v63  }
0xb9: {  	_ =	swait.ge [sflag:s10], $0x800  }
0xba: {  	s9 =	rddreg [dreg:$0x3];
	[sflag:s10] =	ssyncset.done $0x0  }
0xbb: {  	[sflag:s10] =	ssyncadd.s32 $0xFFFFF800;
	s9 =	sadd.s32 s8, s9  }
0xbc: {  	[tilespmem:s11], [sflag:$0x3] =	stream.linear.gather [hbm4b:s9+s3], $0x800, $0x38;
	[tilespmem:$0x1C8C0] =	vst v63  }
0xbd: {  	_ =	swait.ge [sflag:s10], $0x800  }
0xbe: {  	[sflag:s10] =	ssyncset.done $0x0  }
0xbf: {  	[sflag:s10] =	ssyncadd.s32 $0xFFFFF800  }
0xc0: {  	[tilespmem:s13], [sflag:$0x1] =	stream.indirect.gather [hbm4b:s4+s12], $0x80, s3, s12, $0xb8;
	[tilespmem:$0x1C8C0] =	vst v63  }
0xc1: {  	_ = 	snop  }
0xc2: {  	[tilespmem:s14], [sflag:$0x2] =	stream.indirect.gather [hbm4b:s4+s12], $0x80, s12, s12, $0xb8;
	[tilespmem:$0x1C8C0] =	vst v63  }
0xc3: {  	_ =	swait.ge [sflag:s15], $0x4000  }
0xc4: {  	[sflag:s15] =	ssyncset.done $0x0  }
0xc5: {  	[sflag:s15] =	ssyncadd.s32 $0xFFFFC000  }
0xc6: {  	[spmem:s2] =	stream.indirect.scatter.add.f32 [tilespmem:s13], [sflag:$0x3], $0x80, s11, s12, $0xb8;
	[tilespmem:$0x1C8C0] =	vst v63  }
0xc7: {  	_ =	swait.ge [sflag:s10], $0x4000  }
0xc8: {  	[sflag:s10] =	ssyncset.done $0x0  }
0xc9: {  	[sflag:s10] =	ssyncadd.s32 $0xFFFFC000  }
0xca: {  	_ =	swait.ge [sflag:s16], $0x4000  }
0xcb: {  	[sflag:s16] =	ssyncset.done $0x0  }
0xcc: {  	s9 =	rddreg [dreg:$0x5];
	[sflag:s16] =	ssyncadd.s32 $0xFFFFC000  }
0xcd: {  	[spmem:s2] =	stream.indirect.scatter.add.f32 [tilespmem:s14], [sflag:$0x3], $0x80, s9, s12, $0xb8;
	[tilespmem:$0x1C8C0] =	vst v63  }
0xce: {  	_ =	swait.ge [sflag:s10], $0x4000  }
0xcf: {  	s7 =	smov.u32 s6;
	[sflag:s10] =	ssyncset.done $0x0  }
0xd0: {  	s8 =	smov.u32 s7;
	s7 =	rddreg [dreg:$0x6];
	[sflag:s10] =	ssyncadd.s32 $0xFFFFC000  }
0xd1: {  	[tilespmem:s13], [sflag:$0x1] =	stream.indirect.gather [hbm4b:s4+s12], $0x80, s7, s12, $0xb8;
	[tilespmem:$0x1C8C0] =	vst v63  }
0xd2: {  	s9 =	rddreg [dreg:$0x7]  }
0xd3: {  	[tilespmem:s14], [sflag:$0x2] =	stream.indirect.gather [hbm4b:s4+s12], $0x80, s9, s12, $0xb8;
	[tilespmem:$0x1C8C0] =	vst v63  }
0xd4: {  	_ =	swait.ge [sflag:s15], $0x4000  }
0xd5: {  	[sflag:s15] =	ssyncset.done $0x0  }
0xd6: {  	s9 =	rddreg [dreg:$0x8];
	[sflag:s15] =	ssyncadd.s32 $0xFFFFC000  }
0xd7: {  	[spmem:s2] =	stream.indirect.scatter.add.f32 [tilespmem:s13], [sflag:$0x3], $0x80, s9, s12, $0xb8;
	[tilespmem:$0x1C8C0] =	vst v63  }
0xd8: {  	_ =	swait.ge [sflag:s10], $0x4000  }
0xd9: {  	[sflag:s10] =	ssyncset.done $0x0  }
0xda: {  	[sflag:s10] =	ssyncadd.s32 $0xFFFFC000  }
0xdb: {  	_ =	swait.ge [sflag:s16], $0x4000  }
0xdc: {  	[sflag:s16] =	ssyncset.done $0x0  }
0xdd: {  	s9 =	rddreg [dreg:$0x9];
	[sflag:s16] =	ssyncadd.s32 $0xFFFFC000  }
0xde: {  	[spmem:s2] =	stream.indirect.scatter.add.f32 [tilespmem:s14], [sflag:$0x3], $0x80, s9, s12, $0xb8;
	[tilespmem:$0x1C8C0] =	vst v63  }
0xdf: {  	_ =	swait.ge [sflag:s10], $0x4000  }
0xe0: {  	[sflag:s10] =	ssyncset.done $0x0  }
0xe1: {  	s7 =	rddreg [dreg:$0xa];
	[sflag:s10] =	ssyncadd.s32 $0xFFFFC000  }
0xe2: {  	[tilespmem:s13], [sflag:$0x1] =	stream.indirect.gather [hbm4b:s4+s12], $0x80, s7, s12, $0xb8;
	[tilespmem:$0x1C8C0] =	vst v63  }
0xe3: {  	s9 =	rddreg [dreg:$0xb]  }
0xe4: {  	[tilespmem:s14], [sflag:$0x2] =	stream.indirect.gather [hbm4b:s4+s12], $0x80, s9, s12, $0xb8;
	[tilespmem:$0x1C8C0] =	vst v63  }
0xe5: {  	_ =	swait.ge [sflag:s15], $0x4000  }
0xe6: {  	[sflag:s15] =	ssyncset.done $0x0  }
0xe7: {  	s9 =	rddreg [dreg:$0xc];
	[sflag:s15] =	ssyncadd.s32 $0xFFFFC000  }
0xe8: {  	[spmem:s2] =	stream.indirect.scatter.add.f32 [tilespmem:s13], [sflag:$0x3], $0x80, s9, s12, $0xb8;
	[tilespmem:$0x1C8C0] =	vst v63  }
0xe9: {  	_ =	swait.ge [sflag:s10], $0x4000  }
0xea: {  	[sflag:s10] =	ssyncset.done $0x0  }
0xeb: {  	[sflag:s10] =	ssyncadd.s32 $0xFFFFC000  }
0xec: {  	_ =	swait.ge [sflag:s16], $0x4000  }
0xed: {  	[sflag:s16] =	ssyncset.done $0x0  }
0xee: {  	s9 =	rddreg [dreg:$0xd];
	[sflag:s16] =	ssyncadd.s32 $0xFFFFC000  }
0xef: {  	[spmem:s2] =	stream.indirect.scatter.add.f32 [tilespmem:s14], [sflag:$0x3], $0x80, s9, s12, $0xb8;
	[tilespmem:$0x1C8C0] =	vst v63  }
0xf0: {  	_ =	swait.ge [sflag:s10], $0x4000  }
0xf1: {  	[sflag:s10] =	ssyncset.done $0x0  }
0xf2: {  	s7 =	rddreg [dreg:$0xe];
	[sflag:s10] =	ssyncadd.s32 $0xFFFFC000  }
0xf3: {  	[tilespmem:s13], [sflag:$0x1] =	stream.indirect.gather [hbm4b:s4+s12], $0x80, s7, s12, $0xb8;
	[tilespmem:$0x1C8C0] =	vst v63  }
0xf4: {  	s9 =	rddreg [dreg:$0xf]  }
0xf5: {  	[tilespmem:s14], [sflag:$0x2] =	stream.indirect.gather [hbm4b:s4+s12], $0x80, s9, s12, $0xb8;
	[tilespmem:$0x1C8C0] =	vst v63  }
0xf6: {  	_ =	swait.ge [sflag:s15], $0x4000  }
0xf7: {  	[sflag:s15] =	ssyncset.done $0x0  }
0xf8: {  	s9 =	rddreg [dreg:$0x10];
	[sflag:s15] =	ssyncadd.s32 $0xFFFFC000  }
0xf9: {  	[spmem:s2] =	stream.indirect.scatter.add.f32 [tilespmem:s13], [sflag:$0x3], $0x80, s9, s12, $0xb8;
	[tilespmem:$0x1C8C0] =	vst v63  }
0xfa: {  	_ =	swait.ge [sflag:s10], $0x4000  }
0xfb: {  	[sflag:s10] =	ssyncset.done $0x0  }
0xfc: {  	[sflag:s10] =	ssyncadd.s32 $0xFFFFC000  }
0xfd: {  	_ =	swait.ge [sflag:s16], $0x4000  }
0xfe: {  	[sflag:s16] =	ssyncset.done $0x0  }
0xff: {  	[sflag:s16] =	ssyncadd.s32 $0xFFFFC000  }
0x100: {  	[spmem:s2] =	stream.indirect.scatter.add.f32 [tilespmem:s14], [sflag:$0x3], $0x80, s17, s12, $0xb8;
	[tilespmem:$0x1C8C0] =	vst v63  }
0x101: {  	_ =	swait.ge [sflag:s10], $0x4000  }
0x102: {  	[sflag:s10] =	ssyncset.done $0x0  }
0x103: {  	[sflag:s10] =	ssyncadd.s32 $0xFFFFC000  }
0x104: {  	[tilespmem:s13], [sflag:$0x1] =	stream.indirect.gather [hbm4b:s4+s12], $0x80, s18, s12, $0xb8;
	[tilespmem:$0x1C8C0] =	vst v63  }
0x105: {  	_ = 	snop  }
0x106: {  	[tilespmem:s14], [sflag:$0x2] =	stream.indirect.gather [hbm4b:s4+s12], $0x80, s19, s12, $0xb8;
	[tilespmem:$0x1C8C0] =	vst v63  }
0x107: {  	_ =	swait.ge [sflag:s15], $0x4000  }
0x108: {  	[sflag:s15] =	ssyncset.done $0x0  }
0x109: {  	[sflag:s15] =	ssyncadd.s32 $0xFFFFC000  }
0x10a: {  	[spmem:s2] =	stream.indirect.scatter.add.f32 [tilespmem:s13], [sflag:$0x3], $0x80, s20, s12, $0xb8;
	[tilespmem:$0x1C8C0] =	vst v63  }
0x10b: {  	_ =	swait.ge [sflag:s10], $0x4000  }
0x10c: {  	[sflag:s10] =	ssyncset.done $0x0  }
0x10d: {  	[sflag:s10] =	ssyncadd.s32 $0xFFFFC000  }
0x10e: {  	_ =	swait.ge [sflag:s16], $0x4000  }
0x10f: {  	[sflag:s16] =	ssyncset.done $0x0  }
0x110: {  	[sflag:s16] =	ssyncadd.s32 $0xFFFFC000  }
0x111: {  	[spmem:s2] =	stream.indirect.scatter.add.f32 [tilespmem:s14], [sflag:$0x3], $0x80, s21, s12, $0xb8;
	[tilespmem:$0x1C8C0] =	vst v63  }
0x112: {  	_ =	swait.ge [sflag:s10], $0x4000  }
0x113: {  	[sflag:s10] =	ssyncset.done $0x0  }
0x114: {  	[sflag:s10] =	ssyncadd.s32 $0xFFFFC000  }
0x115: {  	[tilespmem:s13], [sflag:$0x1] =	stream.indirect.gather [hbm4b:s4+s12], $0x80, s22, s12, $0xb8;
	[tilespmem:$0x1C8C0] =	vst v63  }
0x116: {  	_ = 	snop  }
0x117: {  	[tilespmem:s14], [sflag:$0x2] =	stream.indirect.gather [hbm4b:s4+s12], $0x80, s23, s12, $0xb8;
	[tilespmem:$0x1C8C0] =	vst v63  }
0x118: {  	_ =	swait.ge [sflag:s15], $0x4000  }
0x119: {  	[sflag:s15] =	ssyncset.done $0x0  }
0x11a: {  	[sflag:s15] =	ssyncadd.s32 $0xFFFFC000  }
0x11b: {  	[spmem:s2] =	stream.indirect.scatter.add.f32 [tilespmem:s13], [sflag:$0x3], $0x80, s24, s12, $0xb8;
	[tilespmem:$0x1C8C0] =	vst v63  }
0x11c: {  	_ =	swait.ge [sflag:s10], $0x4000  }
0x11d: {  	[sflag:s10] =	ssyncset.done $0x0  }
0x11e: {  	[sflag:s10] =	ssyncadd.s32 $0xFFFFC000  }
0x11f: {  	_ =	swait.ge [sflag:s16], $0x4000  }
0x120: {  	[sflag:s16] =	ssyncset.done $0x0  }
0x121: {  	[sflag:s16] =	ssyncadd.s32 $0xFFFFC000  }
0x122: {  	[spmem:s2] =	stream.indirect.scatter.add.f32 [tilespmem:s14], [sflag:$0x3], $0x80, s25, s12, $0xb8;
	[tilespmem:$0x1C8C0] =	vst v63  }
0x123: {  	_ =	swait.ge [sflag:s10], $0x4000  }
0x124: {  	[sflag:s10] =	ssyncset.done $0x0  }
0x125: {  	[sflag:s10] =	ssyncadd.s32 $0xFFFFC000  }
0x126: {  	[tilespmem:s13], [sflag:$0x1] =	stream.indirect.gather [hbm4b:s4+s12], $0x80, s26, s12, $0xb8;
	[tilespmem:$0x1C8C0] =	vst v63  }
0x127: {  	_ = 	snop  }
0x128: {  	[tilespmem:s14], [sflag:$0x2] =	stream.indirect.gather [hbm4b:s4+s12], $0x80, s28, s12, $0xb8;
	[tilespmem:$0x1C8C0] =	vst v63  }
0x129: {  	_ =	swait.ge [sflag:s15], $0x4000  }
0x12a: {  	[sflag:s15] =	ssyncset.done $0x0  }
0x12b: {  	[sflag:s15] =	ssyncadd.s32 $0xFFFFC000  }
0x12c: {  	[spmem:s2] =	stream.indirect.scatter.add.f32 [tilespmem:s13], [sflag:$0x3], $0x80, s29, s12, $0xb8;
	[tilespmem:$0x1C8C0] =	vst v63  }
0x12d: {  	_ =	swait.ge [sflag:s10], $0x4000  }
0x12e: {  	[sflag:s10] =	ssyncset.done $0x0  }
0x12f: {  	[sflag:s10] =	ssyncadd.s32 $0xFFFFC000  }
0x130: {  	_ =	swait.ge [sflag:s16], $0x4000  }
0x131: {  	[sflag:s16] =	ssyncset.done $0x0  }
0x132: {  	[sflag:s16] =	ssyncadd.s32 $0xFFFFC000  }
0x133: {  	[spmem:s2] =	stream.indirect.scatter.add.f32 [tilespmem:s14], [sflag:$0x3], $0x80, s30, s12, $0xb8;
	[tilespmem:$0x1C8C0] =	vst v63  }
0x134: {  	_ =	swait.ge [sflag:s10], $0x4000  }
0x135: {  	[sflag:s10] =	ssyncset.done $0x0  }
0x136: {  	[sflag:s10] =	ssyncadd.s32 $0xFFFFC000  }
0x137: {  	[tilespmem:s13], [sflag:$0x1] =	stream.indirect.gather [hbm4b:s4+s12], $0x80, s31, s12, $0xb8;
	[tilespmem:$0x1C8C0] =	vst v63  }
0x138: {  	_ = 	snop  }
0x139: {  	[tilespmem:s14], [sflag:$0x2] =	stream.indirect.gather [hbm4b:s4+s12], $0x80, s1, s12, $0xb8;
	[tilespmem:$0x1C8C0] =	vst v63  }
0x13a: {  	_ =	swait.ge [sflag:s15], $0x4000  }
0x13b: {  	[sflag:s15] =	ssyncset.done $0x0  }
0x13c: {  	[sflag:s15] =	ssyncadd.s32 $0xFFFFC000  }
0x13d: {  	[spmem:s2] =	stream.indirect.scatter.add.f32 [tilespmem:s13], [sflag:$0x3], $0x80, s0, s12, $0xb8;
	[tilespmem:$0x1C8C0] =	vst v63  }
0x13e: {  	_ =	swait.ge [sflag:s10], $0x4000  }
0x13f: {  	[sflag:s10] =	ssyncset.done $0x0  }
0x140: {  	[sflag:s10] =	ssyncadd.s32 $0xFFFFC000  }
0x141: {  	p0 =	sne.s32 s6, $0x900;
	_ =	swait.ge [sflag:s16], $0x4000  }
.Ltmp0:
0x142: {  	[sflag:s16] =	ssyncset.done $0x0;
	(pc) =	sbr.rel @p0 .LBB2_2-.Ltmp0, $4  }
0x143: {  	[sflag:s16] =	ssyncadd.s32 $0xFFFFC000  }
0x144: {  	[spmem:s2] =	stream.indirect.scatter.add.f32 [tilespmem:s14], [sflag:$0x3], $0x80, s5, s12, $0xb8;
	[tilespmem:$0x1C8C0] =	vst v63  }
0x145: {  	_ =	swait.ge [sflag:s10], $0x4000  }
0x146: {  	s6 =	sadd.s32 $0x100, s6;
	s9 =	rddreg [dreg:$0x4];
	[sflag:s10] =	ssyncset.done $0x0  }
0x147: {  	[sflag:s10] =	ssyncadd.s32 $0xFFFFC000;
	s6 =	sadd.s32 s8, s9  }
0x148: {  	[tilespmem:s3], [sflag:$0x3] =	stream.linear.gather [hbm4b:s6+s3], $0x800, $0x38;
	[tilespmem:$0x1C8C0] =	vst v63  }
0x149: {  	_ =	swait.ge [sflag:s10], $0x800  }
0x14a: {  	s7 =	rddreg [dreg:$0x3];
	[sflag:s10] =	ssyncset.done $0x0  }
0x14b: {  	[sflag:s10] =	ssyncadd.s32 $0xFFFFF800;
	s6 =	sadd.s32 s8, s7  }
0x14c: {  	[tilespmem:s11], [sflag:$0x3] =	stream.linear.gather [hbm4b:s6+s3], $0x800, $0x38;
	[tilespmem:$0x1C8C0] =	vst v63  }
0x14d: {  	_ =	swait.ge [sflag:s10], $0x800  }
0x14e: {  	[sflag:s10] =	ssyncset.done $0x0  }
0x14f: {  	[sflag:s10] =	ssyncadd.s32 $0xFFFFF800  }
0x150: {  	[tilespmem:s13], [sflag:$0x1] =	stream.indirect.gather [hbm4b:s4+s12], $0x80, s3, s12, $0xb8;
	[tilespmem:$0x1C8C0] =	vst v63  }
0x151: {  	_ = 	snop  }
0x152: {  	[tilespmem:s14], [sflag:$0x2] =	stream.indirect.gather [hbm4b:s4+s12], $0x80, s12, s12, $0xb8;
	[tilespmem:$0x1C8C0] =	vst v63  }
0x153: {  	_ =	swait.ge [sflag:s15], $0x4000  }
0x154: {  	[sflag:s15] =	ssyncset.done $0x0  }
0x155: {  	[sflag:s15] =	ssyncadd.s32 $0xFFFFC000  }
0x156: {  	[spmem:s2] =	stream.indirect.scatter.add.f32 [tilespmem:s13], [sflag:$0x3], $0x80, s11, s12, $0xb8;
	[tilespmem:$0x1C8C0] =	vst v63  }
0x157: {  	_ =	swait.ge [sflag:s10], $0x4000  }
0x158: {  	[sflag:s10] =	ssyncset.done $0x0  }
0x159: {  	[sflag:s10] =	ssyncadd.s32 $0xFFFFC000  }
0x15a: {  	_ =	swait.ge [sflag:s16], $0x4000  }
0x15b: {  	[sflag:s16] =	ssyncset.done $0x0  }
0x15c: {  	s8 =	rddreg [dreg:$0x5];
	[sflag:s16] =	ssyncadd.s32 $0xFFFFC000  }
0x15d: {  	[spmem:s2] =	stream.indirect.scatter.add.f32 [tilespmem:s14], [sflag:$0x3], $0x80, s8, s12, $0xb8;
	[tilespmem:$0x1C8C0] =	vst v63  }
0x15e: {  	_ =	swait.ge [sflag:s10], $0x4000  }
0x15f: {  	[sflag:s10] =	ssyncset.done $0x0  }
0x160: {  	s9 =	rddreg [dreg:$0x6];
	[sflag:s10] =	ssyncadd.s32 $0xFFFFC000  }
0x161: {  	[tilespmem:s13], [sflag:$0x1] =	stream.indirect.gather [hbm4b:s4+s12], $0x80, s9, s12, $0xb8;
	[tilespmem:$0x1C8C0] =	vst v63  }
0x162: {  	s7 =	rddreg [dreg:$0x7]  }
0x163: {  	[tilespmem:s14], [sflag:$0x2] =	stream.indirect.gather [hbm4b:s4+s12], $0x80, s7, s12, $0xb8;
	[tilespmem:$0x1C8C0] =	vst v63  }
0x164: {  	_ =	swait.ge [sflag:s15], $0x4000  }
0x165: {  	[sflag:s15] =	ssyncset.done $0x0  }
0x166: {  	s8 =	rddreg [dreg:$0x8];
	[sflag:s15] =	ssyncadd.s32 $0xFFFFC000  }
0x167: {  	[spmem:s2] =	stream.indirect.scatter.add.f32 [tilespmem:s13], [sflag:$0x3], $0x80, s8, s12, $0xb8;
	[tilespmem:$0x1C8C0] =	vst v63  }
0x168: {  	_ =	swait.ge [sflag:s10], $0x4000  }
0x169: {  	[sflag:s10] =	ssyncset.done $0x0  }
0x16a: {  	[sflag:s10] =	ssyncadd.s32 $0xFFFFC000  }
0x16b: {  	_ =	swait.ge [sflag:s16], $0x4000  }
0x16c: {  	[sflag:s16] =	ssyncset.done $0x0  }
0x16d: {  	s9 =	rddreg [dreg:$0x9];
	[sflag:s16] =	ssyncadd.s32 $0xFFFFC000  }
0x16e: {  	[spmem:s2] =	stream.indirect.scatter.add.f32 [tilespmem:s14], [sflag:$0x3], $0x80, s9, s12, $0xb8;
	[tilespmem:$0x1C8C0] =	vst v63  }
0x16f: {  	_ =	swait.ge [sflag:s10], $0x4000  }
0x170: {  	[sflag:s10] =	ssyncset.done $0x0  }
0x171: {  	s7 =	rddreg [dreg:$0xa];
	[sflag:s10] =	ssyncadd.s32 $0xFFFFC000  }
0x172: {  	[tilespmem:s13], [sflag:$0x1] =	stream.indirect.gather [hbm4b:s4+s12], $0x80, s7, s12, $0xb8;
	[tilespmem:$0x1C8C0] =	vst v63  }
0x173: {  	s8 =	rddreg [dreg:$0xb]  }
0x174: {  	[tilespmem:s14], [sflag:$0x2] =	stream.indirect.gather [hbm4b:s4+s12], $0x80, s8, s12, $0xb8;
	[tilespmem:$0x1C8C0] =	vst v63  }
0x175: {  	_ =	swait.ge [sflag:s15], $0x4000  }
0x176: {  	[sflag:s15] =	ssyncset.done $0x0  }
0x177: {  	s9 =	rddreg [dreg:$0xc];
	[sflag:s15] =	ssyncadd.s32 $0xFFFFC000  }
0x178: {  	[spmem:s2] =	stream.indirect.scatter.add.f32 [tilespmem:s13], [sflag:$0x3], $0x80, s9, s12, $0xb8;
	[tilespmem:$0x1C8C0] =	vst v63  }
0x179: {  	_ =	swait.ge [sflag:s10], $0x4000  }
0x17a: {  	[sflag:s10] =	ssyncset.done $0x0  }
0x17b: {  	[sflag:s10] =	ssyncadd.s32 $0xFFFFC000  }
0x17c: {  	_ =	swait.ge [sflag:s16], $0x4000  }
0x17d: {  	[sflag:s16] =	ssyncset.done $0x0  }
0x17e: {  	s7 =	rddreg [dreg:$0xd];
	[sflag:s16] =	ssyncadd.s32 $0xFFFFC000  }
0x17f: {  	[spmem:s2] =	stream.indirect.scatter.add.f32 [tilespmem:s14], [sflag:$0x3], $0x80, s7, s12, $0xb8;
	[tilespmem:$0x1C8C0] =	vst v63  }
0x180: {  	_ =	swait.ge [sflag:s10], $0x4000  }
0x181: {  	[sflag:s10] =	ssyncset.done $0x0  }
0x182: {  	s8 =	rddreg [dreg:$0xe];
	[sflag:s10] =	ssyncadd.s32 $0xFFFFC000  }
0x183: {  	[tilespmem:s13], [sflag:$0x1] =	stream.indirect.gather [hbm4b:s4+s12], $0x80, s8, s12, $0xb8;
	[tilespmem:$0x1C8C0] =	vst v63  }
0x184: {  	s9 =	rddreg [dreg:$0xf]  }
0x185: {  	[tilespmem:s14], [sflag:$0x2] =	stream.indirect.gather [hbm4b:s4+s12], $0x80, s9, s12, $0xb8;
	[tilespmem:$0x1C8C0] =	vst v63  }
0x186: {  	_ =	swait.ge [sflag:s15], $0x4000  }
0x187: {  	[sflag:s15] =	ssyncset.done $0x0  }
0x188: {  	s8 =	rddreg [dreg:$0x10];
	[sflag:s15] =	ssyncadd.s32 $0xFFFFC000  }
0x189: {  	[spmem:s2] =	stream.indirect.scatter.add.f32 [tilespmem:s13], [sflag:$0x3], $0x80, s8, s12, $0xb8;
	[tilespmem:$0x1C8C0] =	vst v63  }
0x18a: {  	_ =	swait.ge [sflag:s10], $0x4000  }
0x18b: {  	[sflag:s10] =	ssyncset.done $0x0  }
0x18c: {  	[sflag:s10] =	ssyncadd.s32 $0xFFFFC000  }
0x18d: {  	_ =	swait.ge [sflag:s16], $0x4000  }
0x18e: {  	[sflag:s16] =	ssyncset.done $0x0  }
0x18f: {  	[sflag:s16] =	ssyncadd.s32 $0xFFFFC000  }
0x190: {  	[spmem:s2] =	stream.indirect.scatter.add.f32 [tilespmem:s14], [sflag:$0x3], $0x80, s17, s12, $0xb8;
	[tilespmem:$0x1C8C0] =	vst v63  }
0x191: {  	_ =	swait.ge [sflag:s10], $0x4000  }
0x192: {  	[sflag:s10] =	ssyncset.done $0x0  }
0x193: {  	[sflag:s10] =	ssyncadd.s32 $0xFFFFC000  }
0x194: {  	[tilespmem:s13], [sflag:$0x1] =	stream.indirect.gather [hbm4b:s4+s12], $0x80, s18, s12, $0xb8;
	[tilespmem:$0x1C8C0] =	vst v63  }
0x195: {  	_ = 	snop  }
0x196: {  	[tilespmem:s14], [sflag:$0x2] =	stream.indirect.gather [hbm4b:s4+s12], $0x80, s19, s12, $0xb8;
	[tilespmem:$0x1C8C0] =	vst v63  }
0x197: {  	_ =	swait.ge [sflag:s15], $0x4000  }
0x198: {  	[sflag:s15] =	ssyncset.done $0x0  }
0x199: {  	[sflag:s15] =	ssyncadd.s32 $0xFFFFC000  }
0x19a: {  	[spmem:s2] =	stream.indirect.scatter.add.f32 [tilespmem:s13], [sflag:$0x3], $0x80, s20, s12, $0xb8;
	[tilespmem:$0x1C8C0] =	vst v63  }
0x19b: {  	_ =	swait.ge [sflag:s10], $0x4000  }
0x19c: {  	[sflag:s10] =	ssyncset.done $0x0  }
0x19d: {  	[sflag:s10] =	ssyncadd.s32 $0xFFFFC000  }
0x19e: {  	_ =	swait.ge [sflag:s16], $0x4000  }
0x19f: {  	[sflag:s16] =	ssyncset.done $0x0  }
0x1a0: {  	[sflag:s16] =	ssyncadd.s32 $0xFFFFC000  }
0x1a1: {  	[spmem:s2] =	stream.indirect.scatter.add.f32 [tilespmem:s14], [sflag:$0x3], $0x80, s21, s12, $0xb8;
	[tilespmem:$0x1C8C0] =	vst v63  }
0x1a2: {  	_ =	swait.ge [sflag:s10], $0x4000  }
0x1a3: {  	[sflag:s10] =	ssyncset.done $0x0  }
0x1a4: {  	[sflag:s10] =	ssyncadd.s32 $0xFFFFC000  }
0x1a5: {  	[tilespmem:s13], [sflag:$0x1] =	stream.indirect.gather [hbm4b:s4+s12], $0x80, s22, s12, $0xb8;
	[tilespmem:$0x1C8C0] =	vst v63  }
0x1a6: {  	_ = 	snop  }
0x1a7: {  	[tilespmem:s14], [sflag:$0x2] =	stream.indirect.gather [hbm4b:s4+s12], $0x80, s23, s12, $0xb8;
	[tilespmem:$0x1C8C0] =	vst v63  }
0x1a8: {  	_ =	swait.ge [sflag:s15], $0x4000  }
0x1a9: {  	[sflag:s15] =	ssyncset.done $0x0  }
0x1aa: {  	[sflag:s15] =	ssyncadd.s32 $0xFFFFC000  }
0x1ab: {  	[spmem:s2] =	stream.indirect.scatter.add.f32 [tilespmem:s13], [sflag:$0x3], $0x80, s24, s12, $0xb8;
	[tilespmem:$0x1C8C0] =	vst v63  }
0x1ac: {  	_ =	swait.ge [sflag:s10], $0x4000  }
0x1ad: {  	[sflag:s10] =	ssyncset.done $0x0  }
0x1ae: {  	[sflag:s10] =	ssyncadd.s32 $0xFFFFC000  }
0x1af: {  	_ =	swait.ge [sflag:s16], $0x4000  }
0x1b0: {  	[sflag:s16] =	ssyncset.done $0x0  }
0x1b1: {  	[sflag:s16] =	ssyncadd.s32 $0xFFFFC000  }
0x1b2: {  	[spmem:s2] =	stream.indirect.scatter.add.f32 [tilespmem:s14], [sflag:$0x3], $0x80, s25, s12, $0xb8;
	[tilespmem:$0x1C8C0] =	vst v63  }
0x1b3: {  	_ =	swait.ge [sflag:s10], $0x4000  }
0x1b4: {  	[sflag:s10] =	ssyncset.done $0x0  }
0x1b5: {  	[sflag:s10] =	ssyncadd.s32 $0xFFFFC000  }
0x1b6: {  	[tilespmem:s13], [sflag:$0x1] =	stream.indirect.gather [hbm4b:s4+s12], $0x80, s26, s12, $0xb8;
	[tilespmem:$0x1C8C0] =	vst v63  }
0x1b7: {  	_ = 	snop  }
0x1b8: {  	[tilespmem:s14], [sflag:$0x2] =	stream.indirect.gather [hbm4b:s4+s12], $0x80, s28, s12, $0xb8;
	[tilespmem:$0x1C8C0] =	vst v63  }
0x1b9: {  	_ =	swait.ge [sflag:s15], $0x4000  }
0x1ba: {  	[sflag:s15] =	ssyncset.done $0x0  }
0x1bb: {  	[sflag:s15] =	ssyncadd.s32 $0xFFFFC000  }
0x1bc: {  	[spmem:s2] =	stream.indirect.scatter.add.f32 [tilespmem:s13], [sflag:$0x3], $0x80, s29, s12, $0xb8;
	[tilespmem:$0x1C8C0] =	vst v63  }
0x1bd: {  	_ =	swait.ge [sflag:s10], $0x4000  }
0x1be: {  	[sflag:s10] =	ssyncset.done $0x0  }
0x1bf: {  	[sflag:s10] =	ssyncadd.s32 $0xFFFFC000  }
0x1c0: {  	_ =	swait.ge [sflag:s16], $0x4000  }
0x1c1: {  	[sflag:s16] =	ssyncset.done $0x0  }
0x1c2: {  	[sflag:s16] =	ssyncadd.s32 $0xFFFFC000  }
0x1c3: {  	[spmem:s2] =	stream.indirect.scatter.add.f32 [tilespmem:s14], [sflag:$0x3], $0x80, s30, s12, $0xb8;
	[tilespmem:$0x1C8C0] =	vst v63  }
0x1c4: {  	_ =	swait.ge [sflag:s10], $0x4000  }
0x1c5: {  	[sflag:s10] =	ssyncset.done $0x0  }
0x1c6: {  	[sflag:s10] =	ssyncadd.s32 $0xFFFFC000  }
0x1c7: {  	[tilespmem:s13], [sflag:$0x1] =	stream.indirect.gather [hbm4b:s4+s12], $0x80, s31, s12, $0xb8;
	[tilespmem:$0x1C8C0] =	vst v63  }
0x1c8: {  	_ = 	snop  }
0x1c9: {  	[tilespmem:s14], [sflag:$0x2] =	stream.indirect.gather [hbm4b:s4+s12], $0x80, s1, s12, $0xb8;
	[tilespmem:$0x1C8C0] =	vst v63  }
0x1ca: {  	_ =	swait.ge [sflag:s15], $0x4000  }
0x1cb: {  	[sflag:s15] =	ssyncset.done $0x0  }
0x1cc: {  	[sflag:s15] =	ssyncadd.s32 $0xFFFFC000  }
0x1cd: {  	[spmem:s2] =	stream.indirect.scatter.add.f32 [tilespmem:s13], [sflag:$0x3], $0x80, s0, s12, $0xb8;
	[tilespmem:$0x1C8C0] =	vst v63  }
0x1ce: {  	_ =	swait.ge [sflag:s10], $0x4000  }
0x1cf: {  	[sflag:s10] =	ssyncset.done $0x0  }
0x1d0: {  	[sflag:s10] =	ssyncadd.s32 $0xFFFFC000  }
0x1d1: {  	_ =	swait.ge [sflag:s16], $0x4000  }
0x1d2: {  	[sflag:s16] =	ssyncset.done $0x0  }
0x1d3: {  	[sflag:s16] =	ssyncadd.s32 $0xFFFFC000  }
0x1d4: {  	[spmem:s2] =	stream.indirect.scatter.add.f32 [tilespmem:s14], [sflag:$0x3], $0x80, s5, s12, $0xb8;
	[tilespmem:$0x1C8C0] =	vst v63  }
0x1d5: {  	_ =	swait.ge [sflag:s10], $0x4000  }
0x1d6: {  	[sflag:s10] =	ssyncset.done $0x0  }
0x1d7: {  	[sflag:s10] =	ssyncadd.s32 $0xFFFFC000  }
0x1d8: {  	[bflag:$0x0] =	sbarrier.arrive $0xFFFF  }
0x1d9: {  	s7 =	rddreg [dreg:$0x12]  }
0x1da: {  	s9 =	rddreg [dreg:$0x13]  }
0x1db: {  	s8 =	rddreg [dreg:$0x15]  }
0x1dc: {  	[hbm:s9], [sflag:s7] =	dma.local [spmem:s8], $0x2780  }
0x1dd: {  	_ =	swait.ge [sflag:s10], $0x2780  }
0x1de: {  	s6 =	rddreg [dreg:$0x16]  }
0x1df: {  	s9 =	sadd.s32 $0x1, s6;
	s6 =	rddreg [dreg:$0x14]  }
0x1e0: {  	p0 =	sne.s32 s9, s6  }
.Ltmp1:
0x1e1: {  	_ = 	snop;
	(pc) =	sbr.rel @p0 .LBB2_1-.Ltmp1, $3  }
0x1e2: {  	_ =	sdelay $0x1  }
0x1e3: {  	[sflag:s10] =	ssyncset.done $0x0  }
0x1e4: {  	[sflag:s10] =	ssyncadd.s32 $0xFFFFD880  }
0x1e5: {  	_ =	sfence.sel $0x180000  }
0x1e6: {  	[bflag:$0x0] =	sbarrier.arrive $0xFFFF  }
0x1e7: {  	_ =	strace $0x9000004A  }
0x1e8: {  	s0 =	stileid.u32;
	[bflag:$0x2] =	sbarrier.arrive $0xFFFF  }
0x1e9: {  	p0 =	sne.s32 s0, $0x0;
	s0 =	rddreg [dreg:$0x2]  }
0x1ea: {  	s0 =	sadd.s32 @!p0 $0x100000, s0  }
0x1eb: {  	[sflag:s0] =	ssyncadd.tile.s32 @!p0 $0x1;
	_ =	shalt  }
.Lfunc_end2:
_tile_overlayer_lowered:
.L_overlay_start_2:
0x1ec: {  	(tag) =	ssettag $0x2  }
0x1ed: {  	s0 =	rddreg [dreg:$0x0];
	s2 =	stileid.u32  }
0x1ee: {  	s1 =	rddreg [dreg:$0x1];
	p0 =	sne.s32 s2, $0x0  }
0x1ef: {  	s3 =	rddreg [dreg:$0x2];
	[bflag:$0x3] =	sbarrier.arrive $0xFFFF;
	s2 =	simm.s32 @!p0 $0x1C03  }
0x1f0: {  	[timem:s3], [sflag:s2] =	dma.local @!p0 [hbm:s0], s1  }
0x1f1: {  	s0 =	simm.s32 @!p0 $0x3  }
0x1f2: {  	_ =	swait.ge @!p0 [sflag:s0], s1  }
0x1f3: {  	s1 =	ssub.s32 @!p0 $0x0, s1;
	[sflag:s0] =	ssyncset.done @!p0 $0x0  }
0x1f4: {  	[sflag:s0] =	ssyncadd.s32 @!p0 s1  }
0x1f5: {  	[bflag:$0x3] =	sbarrier.arrive $0xFFFF  }
0x1f6: {  	_ =	shalt  }

// kernel: kernel.7.cloned.1.call-start
scs
__scs_entry_jumppad:
0x0: {  	(pc) =	sbr.rel $0x88, $3  }
0x1: {  	(tag) =	ssettag $0x0;
	lr =	simm.s32 $0x1  }
0x2: {  	[smem:$0x3F97] =	sst lr;
	_ =	strace $0xD0000000  }
0x3: {  	_ = 	snop  }
0x4: {  	_ = 	snop  }
0x5: {  	_ = 	snop  }
0x6: {  	_ = 	snop  }
0x7: {  	_ = 	snop  }
__scs_overlays_trampoline_lowered:
0x8: {  	[smem:$0x3FA6] =	sst s0  }
0x9: {  	[smem:$0x3FA7] =	sst s1  }
0xa: {  	[smem:$0x3FA8] =	sst s2  }
0xb: {  	[smem:$0x3FA9] =	sst s3  }
0xc: {  	[smem:$0x3FAA] =	sst s4  }
0xd: {  	[smem:$0x3FAB] =	sst s5  }
0xe: {  	[smem:$0x3FAC] =	sst s6  }
0xf: {  	[smem:$0x3FAD] =	sst s7  }
0x10: {  	[smem:$0x3FAE] =	sst s8  }
0x11: {  	[smem:$0x3FAF] =	sst s9;
	s0 =	simm.s32 @!p0 $0x0  }
0x12: {  	s1 =	sld [smem:$0x3F95];
	s0 =	simm.s32 @p0 $0x1  }
0x13: {  	[smem:$0x3FB0] =	sst s0;
	s0 =	simm.s32 @!p1 $0x0  }
0x14: {  	s2 =	sld [smem:$0x3F94];
	s0 =	simm.s32 @p1 $0x1  }
0x15: {  	[smem:$0x3FB1] =	sst s0;
	s0 =	simm.s32 @!p2 $0x0  }
0x16: {  	s3 =	sld [smem:$0x3FDB];
	s0 =	simm.s32 @p2 $0x1  }
0x17: {  	s4 =	simm.s32 $0x1BF5;
	[smem:$0x3FB3] =	sst s0  }
0x18: {  	s0 =	sld [smem:$0x3F96];
	_ =	swait.ge [sflag:s4], $0x0  }
0x19: {  	s7 =	sld [smem:$0x3F97]  }
0x1a: {  	s8 =	sadd.s32 $0xFFFFE003, lr  }
0x1b: {  	s9 =	sadd.s32 $0xFFFFFEF7, lr;
	s5 =	simm.s32 $0xFFFFFFFF;
	p2 =	slt.u32 s8, $0xFFFFF086  }
0x1c: {  	p1 =	slt.u32 s9, $0xF7A;
	s5 =	simm.s32 @!p2 $0x0  }
0x1d: {  	s5 =	simm.s32 @p1 $0x1;
	p0 =	seq.s32 s7, s2  }
0x1e: {  	s7 =	smul.u32 @!p0 $0xF7A, s2;
	p2 =	seq.s32 @!p0 s5, $0x0  }
0x1f: {  	s9 =	smul.u32 $0xF7A, s1;
	s8 =	simm.s32 @!p0 $0x1BF5;
	p2 =	por !p2, p0  }
0x20: {  	[sflag:s8] =	ssyncset.s32 @!p0 $0xFFFFF086;
	s6 =	sadd.s32 @!p0 s3, s7;
	s7 =	simm.s32 @!p0 $0x108  }
0x21: {  	s3 =	sadd.s32 s3, s9;
	s6 =	sadd.s32 @!p0 $0x88, s6;
	s7 =	simm.s32 @p2 $0x1082  }
0x22: {  	[simem:s7], [sflag:s8] =	dma.local @!p0 [hbm:s6], $0xF7A  }
0x23: {  	s9 =	sor.u32 $0xD0000000, s2;
	s6 =	simm.s32 $0x108;
	_ =	swait.ge @!p0 [sflag:s8], $0x0  }
0x24: {  	s3 =	sadd.s32 $0x88, s3;
	s6 =	simm.s32 @!p1 $0x1082;
	[sflag:s4] =	ssyncset.s32 $0xFFFFF086  }
0x25: {  	[simem:s6], [sflag:s4] =	dma.local [hbm:s3], $0xF7A  }
0x26: {  	[smem:$0x3F97] =	sst s1;
	(tag) =	ssettag s2;
	_ =	strace s9  }
0x27: {  	s1 =	sld [smem:$0x3FA7]  }
0x28: {  	s2 =	sld [smem:$0x3FA8]  }
0x29: {  	s4 =	sld [smem:$0x3FAA]  }
0x2a: {  	p0 =	seq.s32 s5, $0x0;
	s5 =	sld [smem:$0x3FAB]  }
0x2b: {  	s6 =	sld [smem:$0x3FAC]  }
0x2c: {  	s7 =	sld [smem:$0x3FAD]  }
0x2d: {  	s3 =	simm.s32 $0x108;
	s8 =	sld [smem:$0x3FAE]  }
0x2e: {  	s3 =	simm.s32 @!p0 $0x1082;
	s9 =	sld [smem:$0x3FAF]  }
0x2f: {  	lr =	sadd.s32 s0, s3;
	s0 =	sld [smem:$0x3FA6]  }
0x30: {  	s3 =	sld [smem:$0x3FA9]  }
0x31: {  	[smem:$0x3FB2] =	sst s10  }
0x32: {  	s10 =	sld [smem:$0x3FB0];
	_ =	sdelay $0x3  }
0x33: {  	p0 =	seq.s32 s10, $0x1;
	s10 =	sld [smem:$0x3FB2];
	_ =	sdelay $0x3  }
0x34: {  	[smem:$0x3FB2] =	sst s10  }
0x35: {  	s10 =	sld [smem:$0x3FB1];
	_ =	sdelay $0x3  }
0x36: {  	p1 =	seq.s32 s10, $0x1;
	s10 =	sld [smem:$0x3FB2];
	_ =	sdelay $0x3  }
0x37: {  	[smem:$0x3FB2] =	sst s10  }
0x38: {  	s10 =	sld [smem:$0x3FB3]  }
0x39: {  	_ = 	snop;
	(pc) =	sbr.ind lr, $3  }
0x3a: {  	_ = 	snop  }
0x3b: {  	_ = 	snop  }
0x3c: {  	p2 =	seq.s32 s10, $0x1;
	s10 =	sld [smem:$0x3FB2]  }
0x3d: {  	_ =	shalt  }
0x3e: {  	_ =	shalt  }
0x3f: {  	_ =	shalt  }
0x40: {  	_ =	shalt  }
0x41: {  	_ =	shalt  }
0x42: {  	_ =	shalt  }
0x43: {  	_ =	shalt  }
0x44: {  	_ =	shalt  }
0x45: {  	_ =	shalt  }
0x46: {  	_ =	shalt  }
0x47: {  	_ =	shalt  }
0x48: {  	_ =	shalt  }
0x49: {  	_ =	shalt  }
0x4a: {  	_ =	shalt  }
0x4b: {  	_ =	shalt  }
0x4c: {  	_ =	shalt  }
0x4d: {  	_ =	shalt  }
0x4e: {  	_ =	shalt  }
0x4f: {  	_ =	shalt  }
0x50: {  	_ =	shalt  }
0x51: {  	_ =	shalt  }
0x52: {  	_ =	shalt  }
0x53: {  	_ =	shalt  }
0x54: {  	_ =	shalt  }
0x55: {  	_ =	shalt  }
0x56: {  	_ =	shalt  }
0x57: {  	_ =	shalt  }
0x58: {  	_ =	shalt  }
0x59: {  	_ =	shalt  }
0x5a: {  	_ =	shalt  }
0x5b: {  	_ =	shalt  }
0x5c: {  	_ =	shalt  }
0x5d: {  	_ =	shalt  }
0x5e: {  	_ =	shalt  }
0x5f: {  	_ =	shalt  }
0x60: {  	_ =	shalt  }
0x61: {  	_ =	shalt  }
0x62: {  	_ =	shalt  }
0x63: {  	_ =	shalt  }
0x64: {  	_ =	shalt  }
0x65: {  	_ =	shalt  }
0x66: {  	_ =	shalt  }
0x67: {  	_ =	shalt  }
0x68: {  	_ =	shalt  }
0x69: {  	_ =	shalt  }
0x6a: {  	_ =	shalt  }
0x6b: {  	_ =	shalt  }
0x6c: {  	_ =	shalt  }
0x6d: {  	_ =	shalt  }
0x6e: {  	_ =	shalt  }
0x6f: {  	_ =	shalt  }
0x70: {  	_ =	shalt  }
0x71: {  	_ =	shalt  }
0x72: {  	_ =	shalt  }
0x73: {  	_ =	shalt  }
0x74: {  	_ =	shalt  }
0x75: {  	_ =	shalt  }
0x76: {  	_ =	shalt  }
0x77: {  	_ =	shalt  }
0x78: {  	_ =	shalt  }
0x79: {  	_ =	shalt  }
0x7a: {  	_ =	shalt  }
0x7b: {  	_ =	shalt  }
0x7c: {  	_ =	shalt  }
0x7d: {  	_ =	shalt  }
0x7e: {  	_ =	shalt  }
0x7f: {  	_ =	shalt  }
0x80: {  	_ =	shalt  }
0x81: {  	_ =	shalt  }
0x82: {  	_ =	shalt  }
0x83: {  	_ =	shalt  }
0x84: {  	_ =	shalt  }
0x85: {  	_ =	shalt  }
0x86: {  	_ =	shalt  }
0x87: {  	_ =	shalt  }
.Lfunc_end0:
.L_simem_size_0:
called_computation_lowered:
.L_overlay_start_0:
0x88: {  	s2 =	sld [smem:$0x3FD9]  }
0x89: {  	s3 =	sld [smem:$0x3FFE];
	_ =	sdelay $0x1  }
0x8a: {  	s1 =	srdreg.scid  }
0x8b: {  	s0 =	sand.u32 $0x1, s1  }
0x8c: {  	s16 =	sshll.u32 s0, $0xA;
	s2 =	sadd.s32 s3, s2  }
0x8d: {  	s2 =	sadd.s32 s2, s16  }
0x8e: {  	[smem:$0x3FBE] =	sst s2  }
0x8f: {  	_ = 	snop  }
0x90: {  	(tm) =	ssettm $0x1  }
0x91: {  	s17 =	sld [smem:$0x3FFB];
	_ =	sdelay $0x3  }
0x92: {  	_ =	strace s17  }
0x93: {  	s2 =	sld [smem:$0x3FFC];
	_ =	sdelay $0x3  }
0x94: {  	_ =	strace s2  }
0x95: {  	s2 =	sld [smem:$0x3FFD];
	_ =	sdelay $0x3  }
0x96: {  	_ =	strace s2  }
0x97: {  	_ =	strace $0x8FFFFFFF  }
0x98: {  	s18 =	sld [smem:$0x3FDB];
	_ =	sdelay $0x1  }
0x99: {  	s19 =	simm.s32 $_scs_section_size  }
0x9a: {  	s4 =	simm.s32 $_size__tile_overlayer_lowered;
	s5 =	simm.s32 $_tile_overlayer_lowered  }
0x9b: {  	s22 =	simm.s32 $0x1BFF;
	s21 =	sshll.u32 s5, $0x1;
	s2 =	sadd.s32 s19, s18  }
0x9c: {  	s6 =	simm.s32 $0x0;
	s20 =	sshll.u32 s4, $0x1;
	s4 =	sadd.s32 s21, s2  }
0x9d: {  	[timem:s6], [sflag:s22] =	dma.local [hbm:s4], s20  }
0x9e: {  	_ =	swait.ge [sflag:s22], s20  }
0x9f: {  	s3 =	ssub.s32 $0x0, s20;
	[sflag:s22] =	ssyncset.done $0x0  }
0xa0: {  	[sflag:s22] =	ssyncadd.s32 s3;
	_ =	sdelay $0x1  }
0xa1: {  	s23 =	simm.s32 $0x1B8B  }
0xa2: {  	_ =	swait.ge [sflag:s23], $0x1  }
0xa3: {  	[sflag:s23] =	ssyncset.done $0x0  }
0xa4: {  	s25 =	simm.s32 $0x1B8E;
	s24 =	sld [smem:$0x3FFE];
	[sflag:s23] =	ssyncadd.s32 $0xFFFFFFFF  }
0xa5: {  	s26 =	simm.s32 $execute0_lowered;
	[smem:$0x3FD2] =	sst s25  }
0xa6: {  	s4 =	sshll.u32 s26, $0x1;
	_ =	strace $0x80000046;
	[dreg:$0x1] =	wrdreg $0xFFFFFFFF  }
0xa7: {  	s28 =	simm.s32 $_size_execute0_lowered;
	s2 =	sadd.s32 s2, s4;
	[dreg:$0x0] =	wrdreg $0x0  }
0xa8: {  	s4 =	sshll.u32 s28, $0x1;
	[dreg:$0x2] =	wrdreg s2  }
0xa9: {  	[dreg:$0x3] =	wrdreg s4  }
0xaa: {  	[dreg:$0x4] =	wrdreg $0xC0  }
0xab: {  	_ =	task [dreg:s6], $0x5FFFF  }
0xac: {  	[dreg:$0x1] =	wrdreg $0xFFFFFFFF  }
0xad: {  	[dreg:$0x0] =	wrdreg $0x60  }
0xae: {  	[dreg:$0x2] =	wrdreg s24  }
0xaf: {  	[dreg:$0x3] =	wrdreg $0x90000  }
0xb0: {  	[dreg:$0x4] =	wrdreg $0x9  }
0xb1: {  	_ =	task.clear_ibuf [dreg:s6], $0x5FFFF;
	_ =	strace $0x90000046  }
0xb2: {  	s29 =	simm.s32 $0x9;
	_ =	strace $0x80000048  }
0xb3: {  	_ =	swait.ge [sflag:s29], $0x1  }
0xb4: {  	[sflag:s29] =	ssyncadd.s32 $0xFFFFFFFF  }
0xb5: {  	_ =	strace $0x90000048  }
0xb6: {  	_ =	sfence  }
0xb7: {  	s30 =	sld [smem:$0x0];
	_ =	sdelay $0x2  }
0xb8: {  	s31 =	sshll.u32 s1, $0xD;
	s1 =	sshrl.u32 s1, $0x2  }
0xb9: {  	s3 =	sand.u32 $0x4000, s31;
	s1 =	sadd.s32 s1, s30  }
0xba: {  	s0 =	sor.u32 s3, s0;
	s1 =	sshll.u32 s1, $0x11  }
0xbb: {  	s0 =	sor.u32 s1, s0  }
0xbc: {  	s0 =	sadd.s32 $0x8F2B, s0  }
0xbd: {  	[sflag:s0] =	ssyncadd.remote.s32 $0x1  }
0xbe: {  	_ =	sfence.sel $0xFFFF  }
0xbf: {  	[dreg:$0x0] =	wrdreg $0xFFFFFFFF;
	(pc) =	sbr.abs _section_cstart, $3  }
0xc0: {  	[dreg:$0x1] =	wrdreg $0xFFFFFFFF  }
0xc1: {  	_ =	task.clear_ibuf [dreg:s6], $0x2FFFF;
	_ =	strace $0x9FFFFFFF  }
0xc2: {  	(tm) =	ssettm $0x7FFFFFFF  }
0xc3: {  	_ =	shalt  }
tec
execute0_lowered:
.L_overlay_start_1:
0x0: {  	(tag) =	ssettag $0x1  }
0x1: {  	s0 =	srdreg.scid;
	s1 =	rddreg [dreg:$0x0]  }
0x2: {  	s9 =	stileid.u32;
	s2 =	rddreg [dreg:$0x1];
	s3 =	simm.s32 $0x0  }
0x3: {  	s13 =	simm.s32 $0x880;
	s15 =	simm.s32 $0x100;
	s17 =	simm.s32 $0x180  }
0x4: {  	s18 =	simm.s32 $0x900;
	s19 =	simm.s32 $0x980;
	[smem:$0x7FF] =	sst s3  }
0x5: {  	s20 =	simm.s32 $0x200;
	_ =	strace $0x80000047;
	[dreg:$0x5] =	wrdreg s13  }
0x6: {  	s21 =	simm.s32 $0x280;
	s10 =	simm.s32 $0x3;
	[dreg:$0x6] =	wrdreg s15  }
0x7: {  	s22 =	simm.s32 $0xA00;
	s11 =	simm.s32 $0x800;
	[dreg:$0x7] =	wrdreg s17  }
0x8: {  	s23 =	simm.s32 $0xA80;
	s24 =	simm.s32 $0x300;
	[dreg:$0x8] =	wrdreg s18  }
0x9: {  	s25 =	simm.s32 $0x380;
	s26 =	simm.s32 $0xB00;
	[dreg:$0x9] =	wrdreg s19  }
0xa: {  	s28 =	simm.s32 $0x680;
	s29 =	simm.s32 $0xE00;
	[dreg:$0xa] =	wrdreg s20  }
0xb: {  	s30 =	simm.s32 $0xE80;
	s31 =	simm.s32 $0x700;
	[dreg:$0xb] =	wrdreg s21  }
0xc: {  	s0 =	sand.u32 $0x1, s0;
	s5 =	smul.u32 $0x278, s9;
	[dreg:$0xc] =	wrdreg s22  }
0xd: {  	s6 =	smul.u32 $0x5000, s9;
	s16 =	sshll.u32 s9, $0x6;
	[dreg:$0xd] =	wrdreg s23  }
0xe: {  	s9 =	simm.s32 $0x0;
	s4 =	smul.u32 $0x50000, s0;
	[dreg:$0xe] =	wrdreg s24  }
0xf: {  	s7 =	smul.u32 $0x138800, s0;
	s0 =	ssub.s32 $0x2, s0;
	[dreg:$0xf] =	wrdreg s25  }
0x10: {  	s13 =	simm.s32 $0x1000;
	s15 =	simm.s32 $0x1;
	[dreg:$0x10] =	wrdreg s26  }
0x11: {  	s17 =	simm.s32 $0xB80;
	s18 =	simm.s32 $0x400;
	s19 =	simm.s32 $0x480  }
0x12: {  	s20 =	simm.s32 $0xC00;
	s21 =	simm.s32 $0xC80;
	s22 =	simm.s32 $0x500  }
0x13: {  	s23 =	simm.s32 $0x580;
	s24 =	simm.s32 $0xD00;
	s25 =	simm.s32 $0xD80  }
0x14: {  	s26 =	simm.s32 $0x600;
	s5 =	smin.u32 s5, $0x2498;
	s12 =	sshrl.u32 s0, $0x1  }
0x15: {  	s6 =	sadd.s32 s6, s4;
	s5 =	sshll.u32 s5, $0x7;
	s4 =	sadd.s32 $0x2A000, s1  }
0x16: {  	s0 =	ssub.s32 s0, s12;
	s12 =	simm.s32 $0x80;
	s6 =	sshrl.u32 s6, $0x3  }
0x17: {  	s7 =	sadd.s32 s7, s5;
	s0 =	smax.u32 s0, $0x1;
	s6 =	sadd.s32 s6, s1  }
0x18: {  	s5 =	sadd.s32 s5, s2;
	[dreg:$0x14] =	wrdreg s0;
	s8 =	sadd.s32 $0x16000, s6  }
0x19: {  	s7 =	sshrl.u32 s7, $0x3;
	s6 =	sadd.s32 $0x2000, s6;
	[dreg:$0x3] =	wrdreg s8  }
0x1a: {  	s1 =	sadd.s32 s7, s1;
	s7 =	sor.u32 $0x1C03, s16;
	[dreg:$0x4] =	wrdreg s6  }
0x1b: {  	s0 =	simm.s32 $0xF00;
	s14 =	sadd.s32 $0x162800, s1;
	[dreg:$0x12] =	wrdreg s7  }
0x1c: {  	s16 =	simm.s32 $0x2;
	s1 =	sadd.s32 $0x1B0A00, s1;
	[dreg:$0x11] =	wrdreg s14  }
0x1d: {  	s8 =	sshrl.u32 s5, $0x3;
	s5 =	simm.s32 $0xF80;
	[dreg:$0x13] =	wrdreg s1  }
0x1e: {  	s14 =	simm.s32 $0x5000;
	s1 =	simm.s32 $0x780;
	[dreg:$0x15] =	wrdreg s8  }
.LBB2_1:
0x1f: {  	[dreg:$0x16] =	wrdreg s9  }
0x20: {  	s6 =	rddreg [dreg:$0x11]  }
0x21: {  	[spmem:s8], [sflag:s7] =	dma.local [hbm:s6], $0x2780  }
0x22: {  	_ =	swait.ge [sflag:s10], $0x2780  }
0x23: {  	[sflag:s10] =	ssyncset.done $0x0  }
0x24: {  	[sflag:s10] =	ssyncadd.s32 $0xFFFFD880  }
0x25: {  	[bflag:$0x0] =	sbarrier.arrive $0xFFFF  }
0x26: {  	s9 =	rddreg [dreg:$0x4]  }
0x27: {  	s6 =	sadd.s32 $0x0, s9  }
0x28: {  	[tilespmem:s3], [sflag:$0x3] =	stream.linear.gather [hbm4b:s6+s3], $0x800, $0x38;
	[tilespmem:$0x1C8C0] =	vst v63  }
0x29: {  	_ =	swait.ge [sflag:s10], $0x800  }
0x2a: {  	s7 =	rddreg [dreg:$0x3];
	[sflag:s10] =	ssyncset.done $0x0  }
0x2b: {  	[sflag:s10] =	ssyncadd.s32 $0xFFFFF800;
	s6 =	sadd.s32 $0x0, s7  }
0x2c: {  	[tilespmem:s11], [sflag:$0x3] =	stream.linear.gather [hbm4b:s6+s3], $0x800, $0x38;
	[tilespmem:$0x1C8C0] =	vst v63  }
0x2d: {  	_ =	swait.ge [sflag:s10], $0x800  }
0x2e: {  	[sflag:s10] =	ssyncset.done $0x0  }
0x2f: {  	[sflag:s10] =	ssyncadd.s32 $0xFFFFF800  }
0x30: {  	[tilespmem:s13], [sflag:$0x1] =	stream.indirect.gather [hbm4b:s4+s12], $0x80, s3, s12, $0xb8;
	[tilespmem:$0x1C8C0] =	vst v63  }
0x31: {  	_ = 	snop  }
0x32: {  	[tilespmem:s14], [sflag:$0x2] =	stream.indirect.gather [hbm4b:s4+s12], $0x80, s12, s12, $0xb8;
	[tilespmem:$0x1C8C0] =	vst v63  }
0x33: {  	_ =	swait.ge [sflag:s15], $0x4000  }
0x34: {  	[sflag:s15] =	ssyncset.done $0x0  }
0x35: {  	[sflag:s15] =	ssyncadd.s32 $0xFFFFC000  }
0x36: {  	[spmem:s2] =	stream.indirect.scatter.add.f32 [tilespmem:s13], [sflag:$0x3], $0x80, s11, s12, $0xb8;
	[tilespmem:$0x1C8C0] =	vst v63  }
0x37: {  	_ =	swait.ge [sflag:s10], $0x4000  }
0x38: {  	[sflag:s10] =	ssyncset.done $0x0  }
0x39: {  	[sflag:s10] =	ssyncadd.s32 $0xFFFFC000  }
0x3a: {  	_ =	swait.ge [sflag:s16], $0x4000  }
0x3b: {  	[sflag:s16] =	ssyncset.done $0x0  }
0x3c: {  	s8 =	rddreg [dreg:$0x5];
	[sflag:s16] =	ssyncadd.s32 $0xFFFFC000  }
0x3d: {  	[spmem:s2] =	stream.indirect.scatter.add.f32 [tilespmem:s14], [sflag:$0x3], $0x80, s8, s12, $0xb8;
	[tilespmem:$0x1C8C0] =	vst v63  }
0x3e: {  	_ =	swait.ge [sflag:s10], $0x4000  }
0x3f: {  	[sflag:s10] =	ssyncset.done $0x0  }
0x40: {  	s9 =	rddreg [dreg:$0x6];
	[sflag:s10] =	ssyncadd.s32 $0xFFFFC000  }
0x41: {  	[tilespmem:s13], [sflag:$0x1] =	stream.indirect.gather [hbm4b:s4+s12], $0x80, s9, s12, $0xb8;
	[tilespmem:$0x1C8C0] =	vst v63  }
0x42: {  	s7 =	rddreg [dreg:$0x7]  }
0x43: {  	[tilespmem:s14], [sflag:$0x2] =	stream.indirect.gather [hbm4b:s4+s12], $0x80, s7, s12, $0xb8;
	[tilespmem:$0x1C8C0] =	vst v63  }
0x44: {  	_ =	swait.ge [sflag:s15], $0x4000  }
0x45: {  	[sflag:s15] =	ssyncset.done $0x0  }
0x46: {  	s9 =	rddreg [dreg:$0x8];
	[sflag:s15] =	ssyncadd.s32 $0xFFFFC000  }
0x47: {  	[spmem:s2] =	stream.indirect.scatter.add.f32 [tilespmem:s13], [sflag:$0x3], $0x80, s9, s12, $0xb8;
	[tilespmem:$0x1C8C0] =	vst v63  }
0x48: {  	_ =	swait.ge [sflag:s10], $0x4000  }
0x49: {  	[sflag:s10] =	ssyncset.done $0x0  }
0x4a: {  	[sflag:s10] =	ssyncadd.s32 $0xFFFFC000  }
0x4b: {  	_ =	swait.ge [sflag:s16], $0x4000  }
0x4c: {  	[sflag:s16] =	ssyncset.done $0x0  }
0x4d: {  	s7 =	rddreg [dreg:$0x9];
	[sflag:s16] =	ssyncadd.s32 $0xFFFFC000  }
0x4e: {  	[spmem:s2] =	stream.indirect.scatter.add.f32 [tilespmem:s14], [sflag:$0x3], $0x80, s7, s12, $0xb8;
	[tilespmem:$0x1C8C0] =	vst v63  }
0x4f: {  	_ =	swait.ge [sflag:s10], $0x4000  }
0x50: {  	[sflag:s10] =	ssyncset.done $0x0  }
0x51: {  	s8 =	rddreg [dreg:$0xa];
	[sflag:s10] =	ssyncadd.s32 $0xFFFFC000  }
0x52: {  	[tilespmem:s13], [sflag:$0x1] =	stream.indirect.gather [hbm4b:s4+s12], $0x80, s8, s12, $0xb8;
	[tilespmem:$0x1C8C0] =	vst v63  }
0x53: {  	s9 =	rddreg [dreg:$0xb]  }
0x54: {  	[tilespmem:s14], [sflag:$0x2] =	stream.indirect.gather [hbm4b:s4+s12], $0x80, s9, s12, $0xb8;
	[tilespmem:$0x1C8C0] =	vst v63  }
0x55: {  	_ =	swait.ge [sflag:s15], $0x4000  }
0x56: {  	[sflag:s15] =	ssyncset.done $0x0  }
0x57: {  	s7 =	rddreg [dreg:$0xc];
	[sflag:s15] =	ssyncadd.s32 $0xFFFFC000  }
0x58: {  	[spmem:s2] =	stream.indirect.scatter.add.f32 [tilespmem:s13], [sflag:$0x3], $0x80, s7, s12, $0xb8;
	[tilespmem:$0x1C8C0] =	vst v63  }
0x59: {  	_ =	swait.ge [sflag:s10], $0x4000  }
0x5a: {  	[sflag:s10] =	ssyncset.done $0x0  }
0x5b: {  	[sflag:s10] =	ssyncadd.s32 $0xFFFFC000  }
0x5c: {  	_ =	swait.ge [sflag:s16], $0x4000  }
0x5d: {  	[sflag:s16] =	ssyncset.done $0x0  }
0x5e: {  	s8 =	rddreg [dreg:$0xd];
	[sflag:s16] =	ssyncadd.s32 $0xFFFFC000  }
0x5f: {  	[spmem:s2] =	stream.indirect.scatter.add.f32 [tilespmem:s14], [sflag:$0x3], $0x80, s8, s12, $0xb8;
	[tilespmem:$0x1C8C0] =	vst v63  }
0x60: {  	_ =	swait.ge [sflag:s10], $0x4000  }
0x61: {  	[sflag:s10] =	ssyncset.done $0x0  }
0x62: {  	s9 =	rddreg [dreg:$0xe];
	[sflag:s10] =	ssyncadd.s32 $0xFFFFC000  }
0x63: {  	[tilespmem:s13], [sflag:$0x1] =	stream.indirect.gather [hbm4b:s4+s12], $0x80, s9, s12, $0xb8;
	[tilespmem:$0x1C8C0] =	vst v63  }
0x64: {  	s7 =	rddreg [dreg:$0xf]  }
0x65: {  	[tilespmem:s14], [sflag:$0x2] =	stream.indirect.gather [hbm4b:s4+s12], $0x80, s7, s12, $0xb8;
	[tilespmem:$0x1C8C0] =	vst v63  }
0x66: {  	_ =	swait.ge [sflag:s15], $0x4000  }
0x67: {  	[sflag:s15] =	ssyncset.done $0x0  }
0x68: {  	s9 =	rddreg [dreg:$0x10];
	[sflag:s15] =	ssyncadd.s32 $0xFFFFC000  }
0x69: {  	[spmem:s2] =	stream.indirect.scatter.add.f32 [tilespmem:s13], [sflag:$0x3], $0x80, s9, s12, $0xb8;
	[tilespmem:$0x1C8C0] =	vst v63  }
0x6a: {  	_ =	swait.ge [sflag:s10], $0x4000  }
0x6b: {  	[sflag:s10] =	ssyncset.done $0x0  }
0x6c: {  	[sflag:s10] =	ssyncadd.s32 $0xFFFFC000  }
0x6d: {  	_ =	swait.ge [sflag:s16], $0x4000  }
0x6e: {  	[sflag:s16] =	ssyncset.done $0x0  }
0x6f: {  	[sflag:s16] =	ssyncadd.s32 $0xFFFFC000  }
0x70: {  	[spmem:s2] =	stream.indirect.scatter.add.f32 [tilespmem:s14], [sflag:$0x3], $0x80, s17, s12, $0xb8;
	[tilespmem:$0x1C8C0] =	vst v63  }
0x71: {  	_ =	swait.ge [sflag:s10], $0x4000  }
0x72: {  	[sflag:s10] =	ssyncset.done $0x0  }
0x73: {  	[sflag:s10] =	ssyncadd.s32 $0xFFFFC000  }
0x74: {  	[tilespmem:s13], [sflag:$0x1] =	stream.indirect.gather [hbm4b:s4+s12], $0x80, s18, s12, $0xb8;
	[tilespmem:$0x1C8C0] =	vst v63  }
0x75: {  	_ = 	snop  }
0x76: {  	[tilespmem:s14], [sflag:$0x2] =	stream.indirect.gather [hbm4b:s4+s12], $0x80, s19, s12, $0xb8;
	[tilespmem:$0x1C8C0] =	vst v63  }
0x77: {  	_ =	swait.ge [sflag:s15], $0x4000  }
0x78: {  	[sflag:s15] =	ssyncset.done $0x0  }
0x79: {  	[sflag:s15] =	ssyncadd.s32 $0xFFFFC000  }
0x7a: {  	[spmem:s2] =	stream.indirect.scatter.add.f32 [tilespmem:s13], [sflag:$0x3], $0x80, s20, s12, $0xb8;
	[tilespmem:$0x1C8C0] =	vst v63  }
0x7b: {  	_ =	swait.ge [sflag:s10], $0x4000  }
0x7c: {  	[sflag:s10] =	ssyncset.done $0x0  }
0x7d: {  	[sflag:s10] =	ssyncadd.s32 $0xFFFFC000  }
0x7e: {  	_ =	swait.ge [sflag:s16], $0x4000  }
0x7f: {  	[sflag:s16] =	ssyncset.done $0x0  }
0x80: {  	[sflag:s16] =	ssyncadd.s32 $0xFFFFC000  }
0x81: {  	[spmem:s2] =	stream.indirect.scatter.add.f32 [tilespmem:s14], [sflag:$0x3], $0x80, s21, s12, $0xb8;
	[tilespmem:$0x1C8C0] =	vst v63  }
0x82: {  	_ =	swait.ge [sflag:s10], $0x4000  }
0x83: {  	[sflag:s10] =	ssyncset.done $0x0  }
0x84: {  	[sflag:s10] =	ssyncadd.s32 $0xFFFFC000  }
0x85: {  	[tilespmem:s13], [sflag:$0x1] =	stream.indirect.gather [hbm4b:s4+s12], $0x80, s22, s12, $0xb8;
	[tilespmem:$0x1C8C0] =	vst v63  }
0x86: {  	_ = 	snop  }
0x87: {  	[tilespmem:s14], [sflag:$0x2] =	stream.indirect.gather [hbm4b:s4+s12], $0x80, s23, s12, $0xb8;
	[tilespmem:$0x1C8C0] =	vst v63  }
0x88: {  	_ =	swait.ge [sflag:s15], $0x4000  }
0x89: {  	[sflag:s15] =	ssyncset.done $0x0  }
0x8a: {  	[sflag:s15] =	ssyncadd.s32 $0xFFFFC000  }
0x8b: {  	[spmem:s2] =	stream.indirect.scatter.add.f32 [tilespmem:s13], [sflag:$0x3], $0x80, s24, s12, $0xb8;
	[tilespmem:$0x1C8C0] =	vst v63  }
0x8c: {  	_ =	swait.ge [sflag:s10], $0x4000  }
0x8d: {  	[sflag:s10] =	ssyncset.done $0x0  }
0x8e: {  	[sflag:s10] =	ssyncadd.s32 $0xFFFFC000  }
0x8f: {  	_ =	swait.ge [sflag:s16], $0x4000  }
0x90: {  	[sflag:s16] =	ssyncset.done $0x0  }
0x91: {  	[sflag:s16] =	ssyncadd.s32 $0xFFFFC000  }
0x92: {  	[spmem:s2] =	stream.indirect.scatter.add.f32 [tilespmem:s14], [sflag:$0x3], $0x80, s25, s12, $0xb8;
	[tilespmem:$0x1C8C0] =	vst v63  }
0x93: {  	_ =	swait.ge [sflag:s10], $0x4000  }
0x94: {  	[sflag:s10] =	ssyncset.done $0x0  }
0x95: {  	[sflag:s10] =	ssyncadd.s32 $0xFFFFC000  }
0x96: {  	[tilespmem:s13], [sflag:$0x1] =	stream.indirect.gather [hbm4b:s4+s12], $0x80, s26, s12, $0xb8;
	[tilespmem:$0x1C8C0] =	vst v63  }
0x97: {  	_ = 	snop  }
0x98: {  	[tilespmem:s14], [sflag:$0x2] =	stream.indirect.gather [hbm4b:s4+s12], $0x80, s28, s12, $0xb8;
	[tilespmem:$0x1C8C0] =	vst v63  }
0x99: {  	_ =	swait.ge [sflag:s15], $0x4000  }
0x9a: {  	[sflag:s15] =	ssyncset.done $0x0  }
0x9b: {  	[sflag:s15] =	ssyncadd.s32 $0xFFFFC000  }
0x9c: {  	[spmem:s2] =	stream.indirect.scatter.add.f32 [tilespmem:s13], [sflag:$0x3], $0x80, s29, s12, $0xb8;
	[tilespmem:$0x1C8C0] =	vst v63  }
0x9d: {  	_ =	swait.ge [sflag:s10], $0x4000  }
0x9e: {  	[sflag:s10] =	ssyncset.done $0x0  }
0x9f: {  	[sflag:s10] =	ssyncadd.s32 $0xFFFFC000  }
0xa0: {  	_ =	swait.ge [sflag:s16], $0x4000  }
0xa1: {  	[sflag:s16] =	ssyncset.done $0x0  }
0xa2: {  	[sflag:s16] =	ssyncadd.s32 $0xFFFFC000  }
0xa3: {  	[spmem:s2] =	stream.indirect.scatter.add.f32 [tilespmem:s14], [sflag:$0x3], $0x80, s30, s12, $0xb8;
	[tilespmem:$0x1C8C0] =	vst v63  }
0xa4: {  	_ =	swait.ge [sflag:s10], $0x4000  }
0xa5: {  	[sflag:s10] =	ssyncset.done $0x0  }
0xa6: {  	[sflag:s10] =	ssyncadd.s32 $0xFFFFC000  }
0xa7: {  	[tilespmem:s13], [sflag:$0x1] =	stream.indirect.gather [hbm4b:s4+s12], $0x80, s31, s12, $0xb8;
	[tilespmem:$0x1C8C0] =	vst v63  }
0xa8: {  	_ = 	snop  }
0xa9: {  	[tilespmem:s14], [sflag:$0x2] =	stream.indirect.gather [hbm4b:s4+s12], $0x80, s1, s12, $0xb8;
	[tilespmem:$0x1C8C0] =	vst v63  }
0xaa: {  	_ =	swait.ge [sflag:s15], $0x4000  }
0xab: {  	[sflag:s15] =	ssyncset.done $0x0  }
0xac: {  	[sflag:s15] =	ssyncadd.s32 $0xFFFFC000  }
0xad: {  	[spmem:s2] =	stream.indirect.scatter.add.f32 [tilespmem:s13], [sflag:$0x3], $0x80, s0, s12, $0xb8;
	[tilespmem:$0x1C8C0] =	vst v63  }
0xae: {  	_ =	swait.ge [sflag:s10], $0x4000  }
0xaf: {  	[sflag:s10] =	ssyncset.done $0x0  }
0xb0: {  	[sflag:s10] =	ssyncadd.s32 $0xFFFFC000  }
0xb1: {  	_ =	swait.ge [sflag:s16], $0x4000  }
0xb2: {  	[sflag:s16] =	ssyncset.done $0x0  }
0xb3: {  	[sflag:s16] =	ssyncadd.s32 $0xFFFFC000  }
0xb4: {  	[spmem:s2] =	stream.indirect.scatter.add.f32 [tilespmem:s14], [sflag:$0x3], $0x80, s5, s12, $0xb8;
	[tilespmem:$0x1C8C0] =	vst v63  }
0xb5: {  	s6 =	simm.s32 $0x200;
	_ =	swait.ge [sflag:s10], $0x4000  }
0xb6: {  	s8 =	simm.s32 $0x100;
	s9 =	rddreg [dreg:$0x4];
	[sflag:s10] =	ssyncset.done $0x0  }
.LBB2_2:
0xb7: {  	[sflag:s10] =	ssyncadd.s32 $0xFFFFC000;
	s9 =	sadd.s32 s8, s9  }
0xb8: {  	[tilespmem:s3], [sflag:$0x3] =	stream.linear.gather [hbm4b:s9+s3], $0x800, $0x38;
	[tilespmem:$0x1C8C0] =	vst v63  }
0xb9: {  	_ =	swait.ge [sflag:s10], $0x800  }
0xba: {  	s9 =	rddreg [dreg:$0x3];
	[sflag:s10] =	ssyncset.done $0x0  }
0xbb: {  	[sflag:s10] =	ssyncadd.s32 $0xFFFFF800;
	s9 =	sadd.s32 s8, s9  }
0xbc: {  	[tilespmem:s11], [sflag:$0x3] =	stream.linear.gather [hbm4b:s9+s3], $0x800, $0x38;
	[tilespmem:$0x1C8C0] =	vst v63  }
0xbd: {  	_ =	swait.ge [sflag:s10], $0x800  }
0xbe: {  	[sflag:s10] =	ssyncset.done $0x0  }
0xbf: {  	[sflag:s10] =	ssyncadd.s32 $0xFFFFF800  }
0xc0: {  	[tilespmem:s13], [sflag:$0x1] =	stream.indirect.gather [hbm4b:s4+s12], $0x80, s3, s12, $0xb8;
	[tilespmem:$0x1C8C0] =	vst v63  }
0xc1: {  	_ = 	snop  }
0xc2: {  	[tilespmem:s14], [sflag:$0x2] =	stream.indirect.gather [hbm4b:s4+s12], $0x80, s12, s12, $0xb8;
	[tilespmem:$0x1C8C0] =	vst v63  }
0xc3: {  	_ =	swait.ge [sflag:s15], $0x4000  }
0xc4: {  	[sflag:s15] =	ssyncset.done $0x0  }
0xc5: {  	[sflag:s15] =	ssyncadd.s32 $0xFFFFC000  }
0xc6: {  	[spmem:s2] =	stream.indirect.scatter.add.f32 [tilespmem:s13], [sflag:$0x3], $0x80, s11, s12, $0xb8;
	[tilespmem:$0x1C8C0] =	vst v63  }
0xc7: {  	_ =	swait.ge [sflag:s10], $0x4000  }
0xc8: {  	[sflag:s10] =	ssyncset.done $0x0  }
0xc9: {  	[sflag:s10] =	ssyncadd.s32 $0xFFFFC000  }
0xca: {  	_ =	swait.ge [sflag:s16], $0x4000  }
0xcb: {  	[sflag:s16] =	ssyncset.done $0x0  }
0xcc: {  	s9 =	rddreg [dreg:$0x5];
	[sflag:s16] =	ssyncadd.s32 $0xFFFFC000  }
0xcd: {  	[spmem:s2] =	stream.indirect.scatter.add.f32 [tilespmem:s14], [sflag:$0x3], $0x80, s9, s12, $0xb8;
	[tilespmem:$0x1C8C0] =	vst v63  }
0xce: {  	_ =	swait.ge [sflag:s10], $0x4000  }
0xcf: {  	s7 =	smov.u32 s6;
	[sflag:s10] =	ssyncset.done $0x0  }
0xd0: {  	s8 =	smov.u32 s7;
	s7 =	rddreg [dreg:$0x6];
	[sflag:s10] =	ssyncadd.s32 $0xFFFFC000  }
0xd1: {  	[tilespmem:s13], [sflag:$0x1] =	stream.indirect.gather [hbm4b:s4+s12], $0x80, s7, s12, $0xb8;
	[tilespmem:$0x1C8C0] =	vst v63  }
0xd2: {  	s9 =	rddreg [dreg:$0x7]  }
0xd3: {  	[tilespmem:s14], [sflag:$0x2] =	stream.indirect.gather [hbm4b:s4+s12], $0x80, s9, s12, $0xb8;
	[tilespmem:$0x1C8C0] =	vst v63  }
0xd4: {  	_ =	swait.ge [sflag:s15], $0x4000  }
0xd5: {  	[sflag:s15] =	ssyncset.done $0x0  }
0xd6: {  	s9 =	rddreg [dreg:$0x8];
	[sflag:s15] =	ssyncadd.s32 $0xFFFFC000  }
0xd7: {  	[spmem:s2] =	stream.indirect.scatter.add.f32 [tilespmem:s13], [sflag:$0x3], $0x80, s9, s12, $0xb8;
	[tilespmem:$0x1C8C0] =	vst v63  }
0xd8: {  	_ =	swait.ge [sflag:s10], $0x4000  }
0xd9: {  	[sflag:s10] =	ssyncset.done $0x0  }
0xda: {  	[sflag:s10] =	ssyncadd.s32 $0xFFFFC000  }
0xdb: {  	_ =	swait.ge [sflag:s16], $0x4000  }
0xdc: {  	[sflag:s16] =	ssyncset.done $0x0  }
0xdd: {  	s9 =	rddreg [dreg:$0x9];
	[sflag:s16] =	ssyncadd.s32 $0xFFFFC000  }
0xde: {  	[spmem:s2] =	stream.indirect.scatter.add.f32 [tilespmem:s14], [sflag:$0x3], $0x80, s9, s12, $0xb8;
	[tilespmem:$0x1C8C0] =	vst v63  }
0xdf: {  	_ =	swait.ge [sflag:s10], $0x4000  }
0xe0: {  	[sflag:s10] =	ssyncset.done $0x0  }
0xe1: {  	s7 =	rddreg [dreg:$0xa];
	[sflag:s10] =	ssyncadd.s32 $0xFFFFC000  }
0xe2: {  	[tilespmem:s13], [sflag:$0x1] =	stream.indirect.gather [hbm4b:s4+s12], $0x80, s7, s12, $0xb8;
	[tilespmem:$0x1C8C0] =	vst v63  }
0xe3: {  	s9 =	rddreg [dreg:$0xb]  }
0xe4: {  	[tilespmem:s14], [sflag:$0x2] =	stream.indirect.gather [hbm4b:s4+s12], $0x80, s9, s12, $0xb8;
	[tilespmem:$0x1C8C0] =	vst v63  }
0xe5: {  	_ =	swait.ge [sflag:s15], $0x4000  }
0xe6: {  	[sflag:s15] =	ssyncset.done $0x0  }
0xe7: {  	s9 =	rddreg [dreg:$0xc];
	[sflag:s15] =	ssyncadd.s32 $0xFFFFC000  }
0xe8: {  	[spmem:s2] =	stream.indirect.scatter.add.f32 [tilespmem:s13], [sflag:$0x3], $0x80, s9, s12, $0xb8;
	[tilespmem:$0x1C8C0] =	vst v63  }
0xe9: {  	_ =	swait.ge [sflag:s10], $0x4000  }
0xea: {  	[sflag:s10] =	ssyncset.done $0x0  }
0xeb: {  	[sflag:s10] =	ssyncadd.s32 $0xFFFFC000  }
0xec: {  	_ =	swait.ge [sflag:s16], $0x4000  }
0xed: {  	[sflag:s16] =	ssyncset.done $0x0  }
0xee: {  	s9 =	rddreg [dreg:$0xd];
	[sflag:s16] =	ssyncadd.s32 $0xFFFFC000  }
0xef: {  	[spmem:s2] =	stream.indirect.scatter.add.f32 [tilespmem:s14], [sflag:$0x3], $0x80, s9, s12, $0xb8;
	[tilespmem:$0x1C8C0] =	vst v63  }
0xf0: {  	_ =	swait.ge [sflag:s10], $0x4000  }
0xf1: {  	[sflag:s10] =	ssyncset.done $0x0  }
0xf2: {  	s7 =	rddreg [dreg:$0xe];
	[sflag:s10] =	ssyncadd.s32 $0xFFFFC000  }
0xf3: {  	[tilespmem:s13], [sflag:$0x1] =	stream.indirect.gather [hbm4b:s4+s12], $0x80, s7, s12, $0xb8;
	[tilespmem:$0x1C8C0] =	vst v63  }
0xf4: {  	s9 =	rddreg [dreg:$0xf]  }
0xf5: {  	[tilespmem:s14], [sflag:$0x2] =	stream.indirect.gather [hbm4b:s4+s12], $0x80, s9, s12, $0xb8;
	[tilespmem:$0x1C8C0] =	vst v63  }
0xf6: {  	_ =	swait.ge [sflag:s15], $0x4000  }
0xf7: {  	[sflag:s15] =	ssyncset.done $0x0  }
0xf8: {  	s9 =	rddreg [dreg:$0x10];
	[sflag:s15] =	ssyncadd.s32 $0xFFFFC000  }
0xf9: {  	[spmem:s2] =	stream.indirect.scatter.add.f32 [tilespmem:s13], [sflag:$0x3], $0x80, s9, s12, $0xb8;
	[tilespmem:$0x1C8C0] =	vst v63  }
0xfa: {  	_ =	swait.ge [sflag:s10], $0x4000  }
0xfb: {  	[sflag:s10] =	ssyncset.done $0x0  }
0xfc: {  	[sflag:s10] =	ssyncadd.s32 $0xFFFFC000  }
0xfd: {  	_ =	swait.ge [sflag:s16], $0x4000  }
0xfe: {  	[sflag:s16] =	ssyncset.done $0x0  }
0xff: {  	[sflag:s16] =	ssyncadd.s32 $0xFFFFC000  }
0x100: {  	[spmem:s2] =	stream.indirect.scatter.add.f32 [tilespmem:s14], [sflag:$0x3], $0x80, s17, s12, $0xb8;
	[tilespmem:$0x1C8C0] =	vst v63  }
0x101: {  	_ =	swait.ge [sflag:s10], $0x4000  }
0x102: {  	[sflag:s10] =	ssyncset.done $0x0  }
0x103: {  	[sflag:s10] =	ssyncadd.s32 $0xFFFFC000  }
0x104: {  	[tilespmem:s13], [sflag:$0x1] =	stream.indirect.gather [hbm4b:s4+s12], $0x80, s18, s12, $0xb8;
	[tilespmem:$0x1C8C0] =	vst v63  }
0x105: {  	_ = 	snop  }
0x106: {  	[tilespmem:s14], [sflag:$0x2] =	stream.indirect.gather [hbm4b:s4+s12], $0x80, s19, s12, $0xb8;
	[tilespmem:$0x1C8C0] =	vst v63  }
0x107: {  	_ =	swait.ge [sflag:s15], $0x4000  }
0x108: {  	[sflag:s15] =	ssyncset.done $0x0  }
0x109: {  	[sflag:s15] =	ssyncadd.s32 $0xFFFFC000  }
0x10a: {  	[spmem:s2] =	stream.indirect.scatter.add.f32 [tilespmem:s13], [sflag:$0x3], $0x80, s20, s12, $0xb8;
	[tilespmem:$0x1C8C0] =	vst v63  }
0x10b: {  	_ =	swait.ge [sflag:s10], $0x4000  }
0x10c: {  	[sflag:s10] =	ssyncset.done $0x0  }
0x10d: {  	[sflag:s10] =	ssyncadd.s32 $0xFFFFC000  }
0x10e: {  	_ =	swait.ge [sflag:s16], $0x4000  }
0x10f: {  	[sflag:s16] =	ssyncset.done $0x0  }
0x110: {  	[sflag:s16] =	ssyncadd.s32 $0xFFFFC000  }
0x111: {  	[spmem:s2] =	stream.indirect.scatter.add.f32 [tilespmem:s14], [sflag:$0x3], $0x80, s21, s12, $0xb8;
	[tilespmem:$0x1C8C0] =	vst v63  }
0x112: {  	_ =	swait.ge [sflag:s10], $0x4000  }
0x113: {  	[sflag:s10] =	ssyncset.done $0x0  }
0x114: {  	[sflag:s10] =	ssyncadd.s32 $0xFFFFC000  }
0x115: {  	[tilespmem:s13], [sflag:$0x1] =	stream.indirect.gather [hbm4b:s4+s12], $0x80, s22, s12, $0xb8;
	[tilespmem:$0x1C8C0] =	vst v63  }
0x116: {  	_ = 	snop  }
0x117: {  	[tilespmem:s14], [sflag:$0x2] =	stream.indirect.gather [hbm4b:s4+s12], $0x80, s23, s12, $0xb8;
	[tilespmem:$0x1C8C0] =	vst v63  }
0x118: {  	_ =	swait.ge [sflag:s15], $0x4000  }
0x119: {  	[sflag:s15] =	ssyncset.done $0x0  }
0x11a: {  	[sflag:s15] =	ssyncadd.s32 $0xFFFFC000  }
0x11b: {  	[spmem:s2] =	stream.indirect.scatter.add.f32 [tilespmem:s13], [sflag:$0x3], $0x80, s24, s12, $0xb8;
	[tilespmem:$0x1C8C0] =	vst v63  }
0x11c: {  	_ =	swait.ge [sflag:s10], $0x4000  }
0x11d: {  	[sflag:s10] =	ssyncset.done $0x0  }
0x11e: {  	[sflag:s10] =	ssyncadd.s32 $0xFFFFC000  }
0x11f: {  	_ =	swait.ge [sflag:s16], $0x4000  }
0x120: {  	[sflag:s16] =	ssyncset.done $0x0  }
0x121: {  	[sflag:s16] =	ssyncadd.s32 $0xFFFFC000  }
0x122: {  	[spmem:s2] =	stream.indirect.scatter.add.f32 [tilespmem:s14], [sflag:$0x3], $0x80, s25, s12, $0xb8;
	[tilespmem:$0x1C8C0] =	vst v63  }
0x123: {  	_ =	swait.ge [sflag:s10], $0x4000  }
0x124: {  	[sflag:s10] =	ssyncset.done $0x0  }
0x125: {  	[sflag:s10] =	ssyncadd.s32 $0xFFFFC000  }
0x126: {  	[tilespmem:s13], [sflag:$0x1] =	stream.indirect.gather [hbm4b:s4+s12], $0x80, s26, s12, $0xb8;
	[tilespmem:$0x1C8C0] =	vst v63  }
0x127: {  	_ = 	snop  }
0x128: {  	[tilespmem:s14], [sflag:$0x2] =	stream.indirect.gather [hbm4b:s4+s12], $0x80, s28, s12, $0xb8;
	[tilespmem:$0x1C8C0] =	vst v63  }
0x129: {  	_ =	swait.ge [sflag:s15], $0x4000  }
0x12a: {  	[sflag:s15] =	ssyncset.done $0x0  }
0x12b: {  	[sflag:s15] =	ssyncadd.s32 $0xFFFFC000  }
0x12c: {  	[spmem:s2] =	stream.indirect.scatter.add.f32 [tilespmem:s13], [sflag:$0x3], $0x80, s29, s12, $0xb8;
	[tilespmem:$0x1C8C0] =	vst v63  }
0x12d: {  	_ =	swait.ge [sflag:s10], $0x4000  }
0x12e: {  	[sflag:s10] =	ssyncset.done $0x0  }
0x12f: {  	[sflag:s10] =	ssyncadd.s32 $0xFFFFC000  }
0x130: {  	_ =	swait.ge [sflag:s16], $0x4000  }
0x131: {  	[sflag:s16] =	ssyncset.done $0x0  }
0x132: {  	[sflag:s16] =	ssyncadd.s32 $0xFFFFC000  }
0x133: {  	[spmem:s2] =	stream.indirect.scatter.add.f32 [tilespmem:s14], [sflag:$0x3], $0x80, s30, s12, $0xb8;
	[tilespmem:$0x1C8C0] =	vst v63  }
0x134: {  	_ =	swait.ge [sflag:s10], $0x4000  }
0x135: {  	[sflag:s10] =	ssyncset.done $0x0  }
0x136: {  	[sflag:s10] =	ssyncadd.s32 $0xFFFFC000  }
0x137: {  	[tilespmem:s13], [sflag:$0x1] =	stream.indirect.gather [hbm4b:s4+s12], $0x80, s31, s12, $0xb8;
	[tilespmem:$0x1C8C0] =	vst v63  }
0x138: {  	_ = 	snop  }
0x139: {  	[tilespmem:s14], [sflag:$0x2] =	stream.indirect.gather [hbm4b:s4+s12], $0x80, s1, s12, $0xb8;
	[tilespmem:$0x1C8C0] =	vst v63  }
0x13a: {  	_ =	swait.ge [sflag:s15], $0x4000  }
0x13b: {  	[sflag:s15] =	ssyncset.done $0x0  }
0x13c: {  	[sflag:s15] =	ssyncadd.s32 $0xFFFFC000  }
0x13d: {  	[spmem:s2] =	stream.indirect.scatter.add.f32 [tilespmem:s13], [sflag:$0x3], $0x80, s0, s12, $0xb8;
	[tilespmem:$0x1C8C0] =	vst v63  }
0x13e: {  	_ =	swait.ge [sflag:s10], $0x4000  }
0x13f: {  	[sflag:s10] =	ssyncset.done $0x0  }
0x140: {  	[sflag:s10] =	ssyncadd.s32 $0xFFFFC000  }
0x141: {  	p0 =	sne.s32 s6, $0x900;
	_ =	swait.ge [sflag:s16], $0x4000  }
.Ltmp0:
0x142: {  	[sflag:s16] =	ssyncset.done $0x0;
	(pc) =	sbr.rel @p0 .LBB2_2-.Ltmp0, $4  }
0x143: {  	[sflag:s16] =	ssyncadd.s32 $0xFFFFC000  }
0x144: {  	[spmem:s2] =	stream.indirect.scatter.add.f32 [tilespmem:s14], [sflag:$0x3], $0x80, s5, s12, $0xb8;
	[tilespmem:$0x1C8C0] =	vst v63  }
0x145: {  	_ =	swait.ge [sflag:s10], $0x4000  }
0x146: {  	s6 =	sadd.s32 $0x100, s6;
	s9 =	rddreg [dreg:$0x4];
	[sflag:s10] =	ssyncset.done $0x0  }
0x147: {  	[sflag:s10] =	ssyncadd.s32 $0xFFFFC000;
	s6 =	sadd.s32 s8, s9  }
0x148: {  	[tilespmem:s3], [sflag:$0x3] =	stream.linear.gather [hbm4b:s6+s3], $0x800, $0x38;
	[tilespmem:$0x1C8C0] =	vst v63  }
0x149: {  	_ =	swait.ge [sflag:s10], $0x800  }
0x14a: {  	s7 =	rddreg [dreg:$0x3];
	[sflag:s10] =	ssyncset.done $0x0  }
0x14b: {  	[sflag:s10] =	ssyncadd.s32 $0xFFFFF800;
	s6 =	sadd.s32 s8, s7  }
0x14c: {  	[tilespmem:s11], [sflag:$0x3] =	stream.linear.gather [hbm4b:s6+s3], $0x800, $0x38;
	[tilespmem:$0x1C8C0] =	vst v63  }
0x14d: {  	_ =	swait.ge [sflag:s10], $0x800  }
0x14e: {  	[sflag:s10] =	ssyncset.done $0x0  }
0x14f: {  	[sflag:s10] =	ssyncadd.s32 $0xFFFFF800  }
0x150: {  	[tilespmem:s13], [sflag:$0x1] =	stream.indirect.gather [hbm4b:s4+s12], $0x80, s3, s12, $0xb8;
	[tilespmem:$0x1C8C0] =	vst v63  }
0x151: {  	_ = 	snop  }
0x152: {  	[tilespmem:s14], [sflag:$0x2] =	stream.indirect.gather [hbm4b:s4+s12], $0x80, s12, s12, $0xb8;
	[tilespmem:$0x1C8C0] =	vst v63  }
0x153: {  	_ =	swait.ge [sflag:s15], $0x4000  }
0x154: {  	[sflag:s15] =	ssyncset.done $0x0  }
0x155: {  	[sflag:s15] =	ssyncadd.s32 $0xFFFFC000  }
0x156: {  	[spmem:s2] =	stream.indirect.scatter.add.f32 [tilespmem:s13], [sflag:$0x3], $0x80, s11, s12, $0xb8;
	[tilespmem:$0x1C8C0] =	vst v63  }
0x157: {  	_ =	swait.ge [sflag:s10], $0x4000  }
0x158: {  	[sflag:s10] =	ssyncset.done $0x0  }
0x159: {  	[sflag:s10] =	ssyncadd.s32 $0xFFFFC000  }
0x15a: {  	_ =	swait.ge [sflag:s16], $0x4000  }
0x15b: {  	[sflag:s16] =	ssyncset.done $0x0  }
0x15c: {  	s8 =	rddreg [dreg:$0x5];
	[sflag:s16] =	ssyncadd.s32 $0xFFFFC000  }
0x15d: {  	[spmem:s2] =	stream.indirect.scatter.add.f32 [tilespmem:s14], [sflag:$0x3], $0x80, s8, s12, $0xb8;
	[tilespmem:$0x1C8C0] =	vst v63  }
0x15e: {  	_ =	swait.ge [sflag:s10], $0x4000  }
0x15f: {  	[sflag:s10] =	ssyncset.done $0x0  }
0x160: {  	s9 =	rddreg [dreg:$0x6];
	[sflag:s10] =	ssyncadd.s32 $0xFFFFC000  }
0x161: {  	[tilespmem:s13], [sflag:$0x1] =	stream.indirect.gather [hbm4b:s4+s12], $0x80, s9, s12, $0xb8;
	[tilespmem:$0x1C8C0] =	vst v63  }
0x162: {  	s7 =	rddreg [dreg:$0x7]  }
0x163: {  	[tilespmem:s14], [sflag:$0x2] =	stream.indirect.gather [hbm4b:s4+s12], $0x80, s7, s12, $0xb8;
	[tilespmem:$0x1C8C0] =	vst v63  }
0x164: {  	_ =	swait.ge [sflag:s15], $0x4000  }
0x165: {  	[sflag:s15] =	ssyncset.done $0x0  }
0x166: {  	s8 =	rddreg [dreg:$0x8];
	[sflag:s15] =	ssyncadd.s32 $0xFFFFC000  }
0x167: {  	[spmem:s2] =	stream.indirect.scatter.add.f32 [tilespmem:s13], [sflag:$0x3], $0x80, s8, s12, $0xb8;
	[tilespmem:$0x1C8C0] =	vst v63  }
0x168: {  	_ =	swait.ge [sflag:s10], $0x4000  }
0x169: {  	[sflag:s10] =	ssyncset.done $0x0  }
0x16a: {  	[sflag:s10] =	ssyncadd.s32 $0xFFFFC000  }
0x16b: {  	_ =	swait.ge [sflag:s16], $0x4000  }
0x16c: {  	[sflag:s16] =	ssyncset.done $0x0  }
0x16d: {  	s9 =	rddreg [dreg:$0x9];
	[sflag:s16] =	ssyncadd.s32 $0xFFFFC000  }
0x16e: {  	[spmem:s2] =	stream.indirect.scatter.add.f32 [tilespmem:s14], [sflag:$0x3], $0x80, s9, s12, $0xb8;
	[tilespmem:$0x1C8C0] =	vst v63  }
0x16f: {  	_ =	swait.ge [sflag:s10], $0x4000  }
0x170: {  	[sflag:s10] =	ssyncset.done $0x0  }
0x171: {  	s7 =	rddreg [dreg:$0xa];
	[sflag:s10] =	ssyncadd.s32 $0xFFFFC000  }
0x172: {  	[tilespmem:s13], [sflag:$0x1] =	stream.indirect.gather [hbm4b:s4+s12], $0x80, s7, s12, $0xb8;
	[tilespmem:$0x1C8C0] =	vst v63  }
0x173: {  	s8 =	rddreg [dreg:$0xb]  }
0x174: {  	[tilespmem:s14], [sflag:$0x2] =	stream.indirect.gather [hbm4b:s4+s12], $0x80, s8, s12, $0xb8;
	[tilespmem:$0x1C8C0] =	vst v63  }
0x175: {  	_ =	swait.ge [sflag:s15], $0x4000  }
0x176: {  	[sflag:s15] =	ssyncset.done $0x0  }
0x177: {  	s9 =	rddreg [dreg:$0xc];
	[sflag:s15] =	ssyncadd.s32 $0xFFFFC000  }
0x178: {  	[spmem:s2] =	stream.indirect.scatter.add.f32 [tilespmem:s13], [sflag:$0x3], $0x80, s9, s12, $0xb8;
	[tilespmem:$0x1C8C0] =	vst v63  }
0x179: {  	_ =	swait.ge [sflag:s10], $0x4000  }
0x17a: {  	[sflag:s10] =	ssyncset.done $0x0  }
0x17b: {  	[sflag:s10] =	ssyncadd.s32 $0xFFFFC000  }
0x17c: {  	_ =	swait.ge [sflag:s16], $0x4000  }
0x17d: {  	[sflag:s16] =	ssyncset.done $0x0  }
0x17e: {  	s7 =	rddreg [dreg:$0xd];
	[sflag:s16] =	ssyncadd.s32 $0xFFFFC000  }
0x17f: {  	[spmem:s2] =	stream.indirect.scatter.add.f32 [tilespmem:s14], [sflag:$0x3], $0x80, s7, s12, $0xb8;
	[tilespmem:$0x1C8C0] =	vst v63  }
0x180: {  	_ =	swait.ge [sflag:s10], $0x4000  }
0x181: {  	[sflag:s10] =	ssyncset.done $0x0  }
0x182: {  	s8 =	rddreg [dreg:$0xe];
	[sflag:s10] =	ssyncadd.s32 $0xFFFFC000  }
0x183: {  	[tilespmem:s13], [sflag:$0x1] =	stream.indirect.gather [hbm4b:s4+s12], $0x80, s8, s12, $0xb8;
	[tilespmem:$0x1C8C0] =	vst v63  }
0x184: {  	s9 =	rddreg [dreg:$0xf]  }
0x185: {  	[tilespmem:s14], [sflag:$0x2] =	stream.indirect.gather [hbm4b:s4+s12], $0x80, s9, s12, $0xb8;
	[tilespmem:$0x1C8C0] =	vst v63  }
0x186: {  	_ =	swait.ge [sflag:s15], $0x4000  }
0x187: {  	[sflag:s15] =	ssyncset.done $0x0  }
0x188: {  	s8 =	rddreg [dreg:$0x10];
	[sflag:s15] =	ssyncadd.s32 $0xFFFFC000  }
0x189: {  	[spmem:s2] =	stream.indirect.scatter.add.f32 [tilespmem:s13], [sflag:$0x3], $0x80, s8, s12, $0xb8;
	[tilespmem:$0x1C8C0] =	vst v63  }
0x18a: {  	_ =	swait.ge [sflag:s10], $0x4000  }
0x18b: {  	[sflag:s10] =	ssyncset.done $0x0  }
0x18c: {  	[sflag:s10] =	ssyncadd.s32 $0xFFFFC000  }
0x18d: {  	_ =	swait.ge [sflag:s16], $0x4000  }
0x18e: {  	[sflag:s16] =	ssyncset.done $0x0  }
0x18f: {  	[sflag:s16] =	ssyncadd.s32 $0xFFFFC000  }
0x190: {  	[spmem:s2] =	stream.indirect.scatter.add.f32 [tilespmem:s14], [sflag:$0x3], $0x80, s17, s12, $0xb8;
	[tilespmem:$0x1C8C0] =	vst v63  }
0x191: {  	_ =	swait.ge [sflag:s10], $0x4000  }
0x192: {  	[sflag:s10] =	ssyncset.done $0x0  }
0x193: {  	[sflag:s10] =	ssyncadd.s32 $0xFFFFC000  }
0x194: {  	[tilespmem:s13], [sflag:$0x1] =	stream.indirect.gather [hbm4b:s4+s12], $0x80, s18, s12, $0xb8;
	[tilespmem:$0x1C8C0] =	vst v63  }
0x195: {  	_ = 	snop  }
0x196: {  	[tilespmem:s14], [sflag:$0x2] =	stream.indirect.gather [hbm4b:s4+s12], $0x80, s19, s12, $0xb8;
	[tilespmem:$0x1C8C0] =	vst v63  }
0x197: {  	_ =	swait.ge [sflag:s15], $0x4000  }
0x198: {  	[sflag:s15] =	ssyncset.done $0x0  }
0x199: {  	[sflag:s15] =	ssyncadd.s32 $0xFFFFC000  }
0x19a: {  	[spmem:s2] =	stream.indirect.scatter.add.f32 [tilespmem:s13], [sflag:$0x3], $0x80, s20, s12, $0xb8;
	[tilespmem:$0x1C8C0] =	vst v63  }
0x19b: {  	_ =	swait.ge [sflag:s10], $0x4000  }
0x19c: {  	[sflag:s10] =	ssyncset.done $0x0  }
0x19d: {  	[sflag:s10] =	ssyncadd.s32 $0xFFFFC000  }
0x19e: {  	_ =	swait.ge [sflag:s16], $0x4000  }
0x19f: {  	[sflag:s16] =	ssyncset.done $0x0  }
0x1a0: {  	[sflag:s16] =	ssyncadd.s32 $0xFFFFC000  }
0x1a1: {  	[spmem:s2] =	stream.indirect.scatter.add.f32 [tilespmem:s14], [sflag:$0x3], $0x80, s21, s12, $0xb8;
	[tilespmem:$0x1C8C0] =	vst v63  }
0x1a2: {  	_ =	swait.ge [sflag:s10], $0x4000  }
0x1a3: {  	[sflag:s10] =	ssyncset.done $0x0  }
0x1a4: {  	[sflag:s10] =	ssyncadd.s32 $0xFFFFC000  }
0x1a5: {  	[tilespmem:s13], [sflag:$0x1] =	stream.indirect.gather [hbm4b:s4+s12], $0x80, s22, s12, $0xb8;
	[tilespmem:$0x1C8C0] =	vst v63  }
0x1a6: {  	_ = 	snop  }
0x1a7: {  	[tilespmem:s14], [sflag:$0x2] =	stream.indirect.gather [hbm4b:s4+s12], $0x80, s23, s12, $0xb8;
	[tilespmem:$0x1C8C0] =	vst v63  }
0x1a8: {  	_ =	swait.ge [sflag:s15], $0x4000  }
0x1a9: {  	[sflag:s15] =	ssyncset.done $0x0  }
0x1aa: {  	[sflag:s15] =	ssyncadd.s32 $0xFFFFC000  }
0x1ab: {  	[spmem:s2] =	stream.indirect.scatter.add.f32 [tilespmem:s13], [sflag:$0x3], $0x80, s24, s12, $0xb8;
	[tilespmem:$0x1C8C0] =	vst v63  }
0x1ac: {  	_ =	swait.ge [sflag:s10], $0x4000  }
0x1ad: {  	[sflag:s10] =	ssyncset.done $0x0  }
0x1ae: {  	[sflag:s10] =	ssyncadd.s32 $0xFFFFC000  }
0x1af: {  	_ =	swait.ge [sflag:s16], $0x4000  }
0x1b0: {  	[sflag:s16] =	ssyncset.done $0x0  }
0x1b1: {  	[sflag:s16] =	ssyncadd.s32 $0xFFFFC000  }
0x1b2: {  	[spmem:s2] =	stream.indirect.scatter.add.f32 [tilespmem:s14], [sflag:$0x3], $0x80, s25, s12, $0xb8;
	[tilespmem:$0x1C8C0] =	vst v63  }
0x1b3: {  	_ =	swait.ge [sflag:s10], $0x4000  }
0x1b4: {  	[sflag:s10] =	ssyncset.done $0x0  }
0x1b5: {  	[sflag:s10] =	ssyncadd.s32 $0xFFFFC000  }
0x1b6: {  	[tilespmem:s13], [sflag:$0x1] =	stream.indirect.gather [hbm4b:s4+s12], $0x80, s26, s12, $0xb8;
	[tilespmem:$0x1C8C0] =	vst v63  }
0x1b7: {  	_ = 	snop  }
0x1b8: {  	[tilespmem:s14], [sflag:$0x2] =	stream.indirect.gather [hbm4b:s4+s12], $0x80, s28, s12, $0xb8;
	[tilespmem:$0x1C8C0] =	vst v63  }
0x1b9: {  	_ =	swait.ge [sflag:s15], $0x4000  }
0x1ba: {  	[sflag:s15] =	ssyncset.done $0x0  }
0x1bb: {  	[sflag:s15] =	ssyncadd.s32 $0xFFFFC000  }
0x1bc: {  	[spmem:s2] =	stream.indirect.scatter.add.f32 [tilespmem:s13], [sflag:$0x3], $0x80, s29, s12, $0xb8;
	[tilespmem:$0x1C8C0] =	vst v63  }
0x1bd: {  	_ =	swait.ge [sflag:s10], $0x4000  }
0x1be: {  	[sflag:s10] =	ssyncset.done $0x0  }
0x1bf: {  	[sflag:s10] =	ssyncadd.s32 $0xFFFFC000  }
0x1c0: {  	_ =	swait.ge [sflag:s16], $0x4000  }
0x1c1: {  	[sflag:s16] =	ssyncset.done $0x0  }
0x1c2: {  	[sflag:s16] =	ssyncadd.s32 $0xFFFFC000  }
0x1c3: {  	[spmem:s2] =	stream.indirect.scatter.add.f32 [tilespmem:s14], [sflag:$0x3], $0x80, s30, s12, $0xb8;
	[tilespmem:$0x1C8C0] =	vst v63  }
0x1c4: {  	_ =	swait.ge [sflag:s10], $0x4000  }
0x1c5: {  	[sflag:s10] =	ssyncset.done $0x0  }
0x1c6: {  	[sflag:s10] =	ssyncadd.s32 $0xFFFFC000  }
0x1c7: {  	[tilespmem:s13], [sflag:$0x1] =	stream.indirect.gather [hbm4b:s4+s12], $0x80, s31, s12, $0xb8;
	[tilespmem:$0x1C8C0] =	vst v63  }
0x1c8: {  	_ = 	snop  }
0x1c9: {  	[tilespmem:s14], [sflag:$0x2] =	stream.indirect.gather [hbm4b:s4+s12], $0x80, s1, s12, $0xb8;
	[tilespmem:$0x1C8C0] =	vst v63  }
0x1ca: {  	_ =	swait.ge [sflag:s15], $0x4000  }
0x1cb: {  	[sflag:s15] =	ssyncset.done $0x0  }
0x1cc: {  	[sflag:s15] =	ssyncadd.s32 $0xFFFFC000  }
0x1cd: {  	[spmem:s2] =	stream.indirect.scatter.add.f32 [tilespmem:s13], [sflag:$0x3], $0x80, s0, s12, $0xb8;
	[tilespmem:$0x1C8C0] =	vst v63  }
0x1ce: {  	_ =	swait.ge [sflag:s10], $0x4000  }
0x1cf: {  	[sflag:s10] =	ssyncset.done $0x0  }
0x1d0: {  	[sflag:s10] =	ssyncadd.s32 $0xFFFFC000  }
0x1d1: {  	_ =	swait.ge [sflag:s16], $0x4000  }
0x1d2: {  	[sflag:s16] =	ssyncset.done $0x0  }
0x1d3: {  	[sflag:s16] =	ssyncadd.s32 $0xFFFFC000  }
0x1d4: {  	[spmem:s2] =	stream.indirect.scatter.add.f32 [tilespmem:s14], [sflag:$0x3], $0x80, s5, s12, $0xb8;
	[tilespmem:$0x1C8C0] =	vst v63  }
0x1d5: {  	_ =	swait.ge [sflag:s10], $0x4000  }
0x1d6: {  	[sflag:s10] =	ssyncset.done $0x0  }
0x1d7: {  	[sflag:s10] =	ssyncadd.s32 $0xFFFFC000  }
0x1d8: {  	[bflag:$0x0] =	sbarrier.arrive $0xFFFF  }
0x1d9: {  	s7 =	rddreg [dreg:$0x12]  }
0x1da: {  	s9 =	rddreg [dreg:$0x13]  }
0x1db: {  	s8 =	rddreg [dreg:$0x15]  }
0x1dc: {  	[hbm:s9], [sflag:s7] =	dma.local [spmem:s8], $0x2780  }
0x1dd: {  	_ =	swait.ge [sflag:s10], $0x2780  }
0x1de: {  	s6 =	rddreg [dreg:$0x16]  }
0x1df: {  	s9 =	sadd.s32 $0x1, s6;
	s6 =	rddreg [dreg:$0x14]  }
0x1e0: {  	p0 =	sne.s32 s9, s6  }
.Ltmp1:
0x1e1: {  	_ = 	snop;
	(pc) =	sbr.rel @p0 .LBB2_1-.Ltmp1, $3  }
0x1e2: {  	_ =	sdelay $0x1  }
0x1e3: {  	[sflag:s10] =	ssyncset.done $0x0  }
0x1e4: {  	[sflag:s10] =	ssyncadd.s32 $0xFFFFD880  }
0x1e5: {  	_ =	sfence.sel $0x180000  }
0x1e6: {  	[bflag:$0x0] =	sbarrier.arrive $0xFFFF  }
0x1e7: {  	_ =	strace $0x90000047  }
0x1e8: {  	s0 =	stileid.u32;
	[bflag:$0x2] =	sbarrier.arrive $0xFFFF  }
0x1e9: {  	p0 =	sne.s32 s0, $0x0;
	s0 =	rddreg [dreg:$0x2]  }
0x1ea: {  	s0 =	sadd.s32 @!p0 $0x100000, s0  }
0x1eb: {  	[sflag:s0] =	ssyncadd.tile.s32 @!p0 $0x1;
	_ =	shalt  }
.Lfunc_end2:
_tile_overlayer_lowered:
.L_overlay_start_2:
0x1ec: {  	(tag) =	ssettag $0x2  }
0x1ed: {  	s0 =	rddreg [dreg:$0x0];
	s2 =	stileid.u32  }
0x1ee: {  	s1 =	rddreg [dreg:$0x1];
	p0 =	sne.s32 s2, $0x0  }
0x1ef: {  	s3 =	rddreg [dreg:$0x2];
	[bflag:$0x3] =	sbarrier.arrive $0xFFFF;
	s2 =	simm.s32 @!p0 $0x1C03  }
0x1f0: {  	[timem:s3], [sflag:s2] =	dma.local @!p0 [hbm:s0], s1  }
0x1f1: {  	s0 =	simm.s32 @!p0 $0x3  }
0x1f2: {  	_ =	swait.ge @!p0 [sflag:s0], s1  }
0x1f3: {  	s1 =	ssub.s32 @!p0 $0x0, s1;
	[sflag:s0] =	ssyncset.done @!p0 $0x0  }
0x1f4: {  	[sflag:s0] =	ssyncadd.s32 @!p0 s1  }
0x1f5: {  	[bflag:$0x3] =	sbarrier.arrive $0xFFFF  }
0x1f6: {  	_ =	shalt  }

</sc_bundles>
